<compile_context>
chip_gen: v7x
topology: tpu7x:2x2x1
jax: 0.10.2.dev20260603
libtpu: 0.0.44.dev20260713+nightly
codegen_flags: <defaults>
</compile_context>

<pallas_src>
import functools

import jax
import jax.numpy as jnp
from jax import lax
from jax.experimental import pallas as pl
from jax.experimental.pallas import tpu as pltpu
from jax.experimental.pallas import tpu_sc as plsc

B = 4096
V = 100000
K = 5
CL = 128
NCHUNK = 800
VP = NCHUNK * CL

_ACH = 40
_ABV = _ACH * CL
_AGV = VP // _ABV
_ABN = 256
_BN_SEL = 512
_BM_LOSS = 512
NEG = float("-inf")


def _chunk_max_and_table(preds_t):
    def body(x_ref, m_ref, t_ref):
        vb = pl.program_id(1)
        x = x_ref[...]
        row = lax.broadcasted_iota(jnp.int32, (_ABV, _ABN), 0) + vb * _ABV
        x = jnp.where(row < V, x, NEG)
        parts = [jnp.max(x[j * CL:(j + 1) * CL, :], axis=0, keepdims=True)
                 for j in range(_ACH)]
        m_ref[...] = jnp.concatenate(parts, axis=0)
        x3 = x.reshape(_ACH, CL, _ABN)
        t_ref[...] = jnp.transpose(x3, (2, 0, 1))

    return pl.pallas_call(
        body,
        grid=(B // _ABN, _AGV),
        in_specs=[pl.BlockSpec((_ABV, _ABN), lambda b, v: (v, b))],
        out_specs=[pl.BlockSpec((_ACH, _ABN), lambda b, v: (v, b)),
                   pl.BlockSpec((_ABN, _ACH, CL), lambda b, v: (b, v, 0))],
        out_shape=[jax.ShapeDtypeStruct((NCHUNK, B), jnp.float32),
                   jax.ShapeDtypeStruct((B, NCHUNK, CL), jnp.float32)],
    )(preds_t)


def _select_chunks(m_t, labels_t):
    def body(m_ref, lab_ref, gidx_ref, lrow_ref, llane_ref):
        bb = pl.program_id(0)
        m = m_ref[...]
        rowio = lax.broadcasted_iota(jnp.int32, (NCHUNK, _BN_SEL), 0)
        idxs = []
        for _ in range(K):
            mx = jnp.max(m, axis=0, keepdims=True)
            idx = jnp.min(jnp.where(m == mx, rowio, NCHUNK), axis=0,
                          keepdims=True)
            idxs.append(idx)
            m = jnp.where(rowio == idx, NEG, m)
        batchio = bb * _BN_SEL + lax.broadcasted_iota(
            jnp.int32, (1, _BN_SEL), 1)
        base = batchio * NCHUNK
        gidx_ref[...] = jnp.concatenate([base + i for i in idxs], axis=0)
        lab = lab_ref[...]
        lrow_ref[...] = base + lab // CL
        llane_ref[...] = lab % CL

    return pl.pallas_call(
        body,
        grid=(B // _BN_SEL,),
        in_specs=[pl.BlockSpec((NCHUNK, _BN_SEL), lambda i: (0, i)),
                  pl.BlockSpec((1, _BN_SEL), lambda i: (0, i))],
        out_specs=[pl.BlockSpec((K, _BN_SEL), lambda i: (0, i)),
                   pl.BlockSpec((1, _BN_SEL), lambda i: (0, i)),
                   pl.BlockSpec((1, _BN_SEL), lambda i: (0, i))],
        out_shape=[jax.ShapeDtypeStruct((K, B), jnp.int32),
                   jax.ShapeDtypeStruct((1, B), jnp.int32),
                   jax.ShapeDtypeStruct((1, B), jnp.int32)],
    )(m_t, labels_t)


def _sc_gather(table, gidx3, lrow2, nc, ns):
    nw = nc * ns
    rpt = B // nw

    mesh = plsc.VectorSubcoreMesh(core_axis_name="c", subcore_axis_name="s")

    @functools.partial(
        pl.kernel,
        mesh=mesh,
        compiler_params=pltpu.CompilerParams(use_tc_tiling_on_sc=False),
        out_type=[jax.ShapeDtypeStruct((B * K, CL), jnp.float32),
                  jax.ShapeDtypeStruct((B, CL), jnp.float32)],
        scratch_types=[
            pltpu.VMEM((K, rpt), jnp.int32),
            pltpu.VMEM((rpt,), jnp.int32),
            pltpu.VMEM((rpt, CL), jnp.float32),
            pltpu.VMEM((rpt, CL), jnp.float32),
            pltpu.SemaphoreType.DMA,
            pltpu.SemaphoreType.DMA,
        ],
    )
    def k(table_hbm, gidx_hbm, lrow_hbm, cand_hbm, labc_hbm,
          gidx_v, lrow_v, buf, labbuf, sem_c, sem_l):
        wid = lax.axis_index("s") * nc + lax.axis_index("c")
        pltpu.sync_copy(gidx_hbm.at[wid], gidx_v)
        pltpu.sync_copy(lrow_hbm.at[wid], lrow_v)
        lab_cp = pltpu.async_copy(table_hbm.at[lrow_v], labbuf, sem_l)
        for j in range(K):
            cp = pltpu.async_copy(table_hbm.at[gidx_v.at[j]], buf, sem_c)
            cp.wait()
            pltpu.sync_copy(
                buf, cand_hbm.at[pl.ds(wid * (K * rpt) + j * rpt, rpt)])
        lab_cp.wait()
        pltpu.sync_copy(labbuf, labc_hbm.at[pl.ds(wid * rpt, rpt)])

    return k(table, gidx3, lrow2)


def _loss(cand4, labc, llane2):
    def body(c_ref, lc_ref, ll_ref, o_ref):
        x = c_ref[...]
        colio = lax.broadcasted_iota(jnp.int32, (_BM_LOSS, K * CL), 1)
        vals = []
        for kk in range(K):
            mx = jnp.max(x, axis=1, keepdims=True)
            vals.append(mx)
            if kk < K - 1:
                idx = jnp.min(jnp.where(x == mx, colio, K * CL), axis=1,
                              keepdims=True)
                x = jnp.where(colio == idx, NEG, x)
        m1 = vals[0]
        s = jnp.exp(vals[0] - m1)
        for v in vals[1:]:
            s = s + jnp.exp(v - m1)
        lse = m1 + jnp.log(s)
        lanio = lax.broadcasted_iota(jnp.int32, (_BM_LOSS, CL), 1)
        lv = jnp.sum(jnp.where(lanio == ll_ref[...], lc_ref[...], 0.0),
                     axis=1, keepdims=True)
        part = jnp.sum(lse - lv) * (1.0 / B)

        @pl.when(pl.program_id(0) == 0)
        def _init():
            o_ref[0, 0] = 0.0

        o_ref[0, 0] += part

    return pl.pallas_call(
        body,
        grid=(B // _BM_LOSS,),
        in_specs=[pl.BlockSpec((_BM_LOSS, K * CL), lambda i: (i, 0)),
                  pl.BlockSpec((_BM_LOSS, CL), lambda i: (i, 0)),
                  pl.BlockSpec((_BM_LOSS, 1), lambda i: (i, 0))],
        out_specs=pl.BlockSpec((1, 1), lambda i: (0, 0),
                               memory_space=pltpu.SMEM),
        out_shape=jax.ShapeDtypeStruct((1, 1), jnp.float32),
    )(cand4, labc, llane2)


def kernel(preds, labels):
    preds = preds.reshape(B, V)
    labels = labels.astype(jnp.int32)

    m_t, table3 = _chunk_max_and_table(preds.T)
    gidx_t, lrow_t, llane_t = _select_chunks(m_t, labels.reshape(1, B))
    gidx = gidx_t.T
    lrow = lrow_t.reshape(B, 1)
    llane = llane_t.reshape(B, 1)

    info = plsc.get_sparse_core_info()
    nc, ns = info.num_cores, info.num_subcores
    nw = nc * ns
    rpt = B // nw
    cand, labc = _sc_gather(
        table3.reshape(B * NCHUNK, CL),
        gidx.reshape(nw, K, rpt),
        lrow.reshape(nw, rpt),
        nc, ns)

    out = _loss(cand.reshape(B, K * CL), labc, llane)
    return out[0, 0]

# --- scband reference (transcript-rebuilt; emitter-appended) ---
"""Pipeline reference for scband-sparsemax-34119220199597 (READ-ONLY COPY).

The authoritative reference and input builder live on the scoring server;
editing this copy changes nothing except your own understanding.
"""

import jax, jax.numpy as jnp
import numpy as np

K_SPARSE = 5

def setup_inputs(seed: int = 0) -> dict:
    key = jax.random.key(seed)
    k1, k2 = jax.random.split(key)
    preds = jax.random.normal(k1, (4096, 100000), dtype=jnp.float32)
    labels = jax.random.randint(k2, (4096,), 0, 100000, dtype=jnp.int32)
    return {"preds": preds, "labels": labels}

def reference(preds, labels):
    # preds: [B, V] float32, labels: [B] int
    preds = preds.reshape(preds.shape[0], -1)
    topk_vals, _ = jax.lax.top_k(preds, K_SPARSE)
    pos_loss = jax.nn.logsumexp(topk_vals, axis=1)
    # torch: gather(preds, 1, labels[:,None].expand(-1, V))[:, 0] == preds[i, labels[i]]
    neg_loss = jnp.take_along_axis(preds, labels[:, None].astype(jnp.int32), axis=1)[:, 0]
    return jnp.mean(pos_loss - neg_loss)

if __name__ == "__main__":
    import jax
    _d = setup_inputs()
    print(jax.jit(kernel)(*tuple(_d.values())))

</pallas_src>

<mosaic_0001>
#map = affine_map<(d0, d1) -> (0, 0)>
#map1 = affine_map<(d0, d1) -> (0, 0, 0)>
module attributes {stable_mosaic.version = 14 : i64} {
  func.func @k(%arg0: i32, %arg1: i32, %arg2: memref<3276800x128xf32, #tpu.memory_space<hbm>>, %arg3: memref<32x5x128xi32, #tpu.memory_space<hbm>>, %arg4: memref<32x128xi32, #tpu.memory_space<hbm>>, %arg5: memref<20480x128xf32, #tpu.memory_space<hbm>>, %arg6: memref<4096x128xf32, #tpu.memory_space<hbm>>, %arg7: memref<5x128xi32, #tpu.memory_space<vmem>>, %arg8: memref<128xi32, #tpu.memory_space<vmem>>, %arg9: memref<128x128xf32, #tpu.memory_space<vmem>>, %arg10: memref<128x128xf32, #tpu.memory_space<vmem>>, %arg11: memref<!tpu.dma_semaphore, #tpu.memory_space<semaphore_mem>>, %arg12: memref<!tpu.dma_semaphore, #tpu.memory_space<semaphore_mem>>) attributes {dimension_semantics = [#tpu.dimension_semantics<core_parallel>, #tpu.dimension_semantics<subcore_parallel>], iteration_bounds = array<i64: 2, 16>, scalar_prefetch = 0 : i64, scratch_operands = 6 : i64, tpu.core_type = #tpu.core_type<sc_vector_subcore>, window_params = [{transform_indices = #map}, {transform_indices = #map1}, {transform_indices = #map}, {transform_indices = #map}, {transform_indices = #map}]} {
    %mul3A = arith.constant 2 : i32
    %mul3A_0 = arith.muli %arg1, %mul3A : i32
    %add3A = arith.addi %mul3A_0, %arg0 : i32
    "tpu.region"() ({
      %run_scoped3A = tpu.sem_alloc : memref<!tpu.dma_semaphore, #tpu.memory_space<semaphore_mem>>
      %dma_start3A_97 = arith.constant 0 : i32
      %dma_start3A_98 = arith.constant 0 : i32
      %dma_start3A_99 = tpu.memref_slice %arg3[%add3A, %dma_start3A_97, %dma_start3A_98] : memref<32x5x128xi32, #tpu.memory_space<hbm>> -> memref<1x5x128xi32, #tpu.memory_space<hbm>>
      %dma_start3A_100 = tpu.memref_squeeze %dma_start3A_99 : memref<1x5x128xi32, #tpu.memory_space<hbm>> -> memref<5x128xi32, #tpu.memory_space<hbm>>
      %dma_start3A_101 = arith.constant 0 : i32
      %dma_start3A_102 = arith.constant 0 : i32
      %dma_start3A_103 = tpu.memref_slice %arg3[%add3A, %dma_start3A_101, %dma_start3A_102] : memref<32x5x128xi32, #tpu.memory_space<hbm>> -> memref<1x5x128xi32, #tpu.memory_space<hbm>>
      %dma_start3A_104 = tpu.memref_squeeze %dma_start3A_103 : memref<1x5x128xi32, #tpu.memory_space<hbm>> -> memref<5x128xi32, #tpu.memory_space<hbm>>
      tpu.enqueue_dma source(%dma_start3A_104 : memref<5x128xi32, #tpu.memory_space<hbm>>) target(%arg7 : memref<5x128xi32, #tpu.memory_space<vmem>>) target_semaphore(%run_scoped3A : memref<!tpu.dma_semaphore, #tpu.memory_space<semaphore_mem>>)
      %dma_wait3A_105 = arith.constant 0 : i32
      %dma_wait3A_106 = arith.constant 0 : i32
      %dma_wait3A_107 = tpu.memref_slice %arg3[%add3A, %dma_wait3A_105, %dma_wait3A_106] : memref<32x5x128xi32, #tpu.memory_space<hbm>> -> memref<1x5x128xi32, #tpu.memory_space<hbm>>
      %dma_wait3A_108 = tpu.memref_squeeze %dma_wait3A_107 : memref<1x5x128xi32, #tpu.memory_space<hbm>> -> memref<5x128xi32, #tpu.memory_space<hbm>>
      %dma_wait3A_109 = arith.constant 0 : i32
      %dma_wait3A_110 = arith.constant 0 : i32
      %dma_wait3A_111 = tpu.memref_slice %arg3[%add3A, %dma_wait3A_109, %dma_wait3A_110] : memref<32x5x128xi32, #tpu.memory_space<hbm>> -> memref<1x5x128xi32, #tpu.memory_space<hbm>>
      %dma_wait3A_112 = tpu.memref_squeeze %dma_wait3A_111 : memref<1x5x128xi32, #tpu.memory_space<hbm>> -> memref<5x128xi32, #tpu.memory_space<hbm>>
      tpu.wait_dma2 semaphore(%run_scoped3A : memref<!tpu.dma_semaphore, #tpu.memory_space<semaphore_mem>>) src(%dma_wait3A_112 : memref<5x128xi32, #tpu.memory_space<hbm>>) dst(%arg7 : memref<5x128xi32, #tpu.memory_space<vmem>>)
      tpu.yield
    }) : () -> ()
    "tpu.region"() ({
      %run_scoped3A = tpu.sem_alloc : memref<!tpu.dma_semaphore, #tpu.memory_space<semaphore_mem>>
      %dma_start3A_97 = arith.constant 0 : i32
      %dma_start3A_98 = tpu.memref_slice %arg4[%add3A, %dma_start3A_97] : memref<32x128xi32, #tpu.memory_space<hbm>> -> memref<1x128xi32, #tpu.memory_space<hbm>>
      %dma_start3A_99 = tpu.memref_squeeze %dma_start3A_98 : memref<1x128xi32, #tpu.memory_space<hbm>> -> memref<128xi32, #tpu.memory_space<hbm>>
      %dma_start3A_100 = arith.constant 0 : i32
      %dma_start3A_101 = tpu.memref_slice %arg4[%add3A, %dma_start3A_100] : memref<32x128xi32, #tpu.memory_space<hbm>> -> memref<1x128xi32, #tpu.memory_space<hbm>>
      %dma_start3A_102 = tpu.memref_squeeze %dma_start3A_101 : memref<1x128xi32, #tpu.memory_space<hbm>> -> memref<128xi32, #tpu.memory_space<hbm>>
      tpu.enqueue_dma source(%dma_start3A_102 : memref<128xi32, #tpu.memory_space<hbm>>) target(%arg8 : memref<128xi32, #tpu.memory_space<vmem>>) target_semaphore(%run_scoped3A : memref<!tpu.dma_semaphore, #tpu.memory_space<semaphore_mem>>)
      %dma_wait3A_103 = arith.constant 0 : i32
      %dma_wait3A_104 = tpu.memref_slice %arg4[%add3A, %dma_wait3A_103] : memref<32x128xi32, #tpu.memory_space<hbm>> -> memref<1x128xi32, #tpu.memory_space<hbm>>
      %dma_wait3A_105 = tpu.memref_squeeze %dma_wait3A_104 : memref<1x128xi32, #tpu.memory_space<hbm>> -> memref<128xi32, #tpu.memory_space<hbm>>
      %dma_wait3A_106 = arith.constant 0 : i32
      %dma_wait3A_107 = tpu.memref_slice %arg4[%add3A, %dma_wait3A_106] : memref<32x128xi32, #tpu.memory_space<hbm>> -> memref<1x128xi32, #tpu.memory_space<hbm>>
      %dma_wait3A_108 = tpu.memref_squeeze %dma_wait3A_107 : memref<1x128xi32, #tpu.memory_space<hbm>> -> memref<128xi32, #tpu.memory_space<hbm>>
      tpu.wait_dma2 semaphore(%run_scoped3A : memref<!tpu.dma_semaphore, #tpu.memory_space<semaphore_mem>>) src(%dma_wait3A_108 : memref<128xi32, #tpu.memory_space<hbm>>) dst(%arg8 : memref<128xi32, #tpu.memory_space<vmem>>)
      tpu.yield
    }) : () -> ()
    %dma_start3A = arith.constant 0 : i32
    %dma_start3A_1 = arith.constant 0 : i32
    %dma_start3A_2 = tpu.memref_slice %arg2[%dma_start3A, %dma_start3A_1] : memref<3276800x128xf32, #tpu.memory_space<hbm>> -> memref<3276800x128xf32, #tpu.memory_space<hbm>>
    tpu.enqueue_indirect_dma source(%dma_start3A_2 : memref<3276800x128xf32, #tpu.memory_space<hbm>>) target(%arg10 : memref<128x128xf32, #tpu.memory_space<vmem>>) offsets(%arg8 : memref<128xi32, #tpu.memory_space<vmem>>) semaphore(%arg12 : memref<!tpu.dma_semaphore, #tpu.memory_space<semaphore_mem>>)
    %dma_start3A_3 = arith.constant 0 : i32
    %dma_start3A_4 = arith.constant 0 : i32
    %dma_start3A_5 = tpu.memref_slice %arg7[%dma_start3A_3, %dma_start3A_4] : memref<5x128xi32, #tpu.memory_space<vmem>> -> memref<1x128xi32, #tpu.memory_space<vmem>>
    %dma_start3A_6 = tpu.memref_squeeze %dma_start3A_5 : memref<1x128xi32, #tpu.memory_space<vmem>> -> memref<128xi32, #tpu.memory_space<vmem>>
    %dma_start3A_7 = arith.constant 0 : i32
    %dma_start3A_8 = arith.constant 0 : i32
    %dma_start3A_9 = tpu.memref_slice %arg2[%dma_start3A_7, %dma_start3A_8] : memref<3276800x128xf32, #tpu.memory_space<hbm>> -> memref<3276800x128xf32, #tpu.memory_space<hbm>>
    tpu.enqueue_indirect_dma source(%dma_start3A_9 : memref<3276800x128xf32, #tpu.memory_space<hbm>>) target(%arg9 : memref<128x128xf32, #tpu.memory_space<vmem>>) offsets(%dma_start3A_6 : memref<128xi32, #tpu.memory_space<vmem>>) semaphore(%arg11 : memref<!tpu.dma_semaphore, #tpu.memory_space<semaphore_mem>>)
    %dma_wait3A = arith.constant 0 : i32
    %dma_wait3A_10 = arith.constant 0 : i32
    %dma_wait3A_11 = tpu.memref_slice %arg7[%dma_wait3A, %dma_wait3A_10] : memref<5x128xi32, #tpu.memory_space<vmem>> -> memref<1x128xi32, #tpu.memory_space<vmem>>
    %dma_wait3A_12 = tpu.memref_squeeze %dma_wait3A_11 : memref<1x128xi32, #tpu.memory_space<vmem>> -> memref<128xi32, #tpu.memory_space<vmem>>
    %dma_wait3A_13 = arith.constant 0 : i32
    %dma_wait3A_14 = arith.constant 0 : i32
    %dma_wait3A_15 = tpu.memref_slice %arg2[%dma_wait3A_13, %dma_wait3A_14] : memref<3276800x128xf32, #tpu.memory_space<hbm>> -> memref<3276800x128xf32, #tpu.memory_space<hbm>>
    tpu.wait_indirect_dma semaphore(%arg11 : memref<!tpu.dma_semaphore, #tpu.memory_space<semaphore_mem>>) src(%dma_wait3A_15 : memref<3276800x128xf32, #tpu.memory_space<hbm>>) dst(%arg9 : memref<128x128xf32, #tpu.memory_space<vmem>>)
    %mul3A_16 = arith.constant 640 : i32
    %mul3A_17 = arith.muli %add3A, %mul3A_16 : i32
    %add3A_18 = arith.constant 0 : i32
    %add3A_19 = arith.addi %mul3A_17, %add3A_18 : i32
    "tpu.region"() ({
      %run_scoped3A = tpu.sem_alloc : memref<!tpu.dma_semaphore, #tpu.memory_space<semaphore_mem>>
      %dma_start3A_97 = arith.constant 0 : i32
      %dma_start3A_98 = tpu.memref_slice %arg5[%add3A_19, %dma_start3A_97] : memref<20480x128xf32, #tpu.memory_space<hbm>> -> memref<128x128xf32, #tpu.memory_space<hbm>>
      %dma_start3A_99 = arith.constant 0 : i32
      %dma_start3A_100 = tpu.memref_slice %arg5[%add3A_19, %dma_start3A_99] : memref<20480x128xf32, #tpu.memory_space<hbm>> -> memref<128x128xf32, #tpu.memory_space<hbm>>
      tpu.enqueue_dma source(%arg9 : memref<128x128xf32, #tpu.memory_space<vmem>>) target(%dma_start3A_100 : memref<128x128xf32, #tpu.memory_space<hbm>>) target_semaphore(%run_scoped3A : memref<!tpu.dma_semaphore, #tpu.memory_space<semaphore_mem>>)
      %dma_wait3A_101 = arith.constant 0 : i32
      %dma_wait3A_102 = tpu.memref_slice %arg5[%add3A_19, %dma_wait3A_101] : memref<20480x128xf32, #tpu.memory_space<hbm>> -> memref<128x128xf32, #tpu.memory_space<hbm>>
      %dma_wait3A_103 = arith.constant 0 : i32
      %dma_wait3A_104 = tpu.memref_slice %arg5[%add3A_19, %dma_wait3A_103] : memref<20480x128xf32, #tpu.memory_space<hbm>> -> memref<128x128xf32, #tpu.memory_space<hbm>>
      tpu.wait_dma2 semaphore(%run_scoped3A : memref<!tpu.dma_semaphore, #tpu.memory_space<semaphore_mem>>) src(%arg9 : memref<128x128xf32, #tpu.memory_space<vmem>>) dst(%dma_wait3A_104 : memref<128x128xf32, #tpu.memory_space<hbm>>)
      tpu.yield
    }) : () -> ()
    %dma_start3A_20 = arith.constant 1 : i32
    %dma_start3A_21 = arith.constant 0 : i32
    %dma_start3A_22 = tpu.memref_slice %arg7[%dma_start3A_20, %dma_start3A_21] : memref<5x128xi32, #tpu.memory_space<vmem>> -> memref<1x128xi32, #tpu.memory_space<vmem>>
    %dma_start3A_23 = tpu.memref_squeeze %dma_start3A_22 : memref<1x128xi32, #tpu.memory_space<vmem>> -> memref<128xi32, #tpu.memory_space<vmem>>
    %dma_start3A_24 = arith.constant 0 : i32
    %dma_start3A_25 = arith.constant 0 : i32
    %dma_start3A_26 = tpu.memref_slice %arg2[%dma_start3A_24, %dma_start3A_25] : memref<3276800x128xf32, #tpu.memory_space<hbm>> -> memref<3276800x128xf32, #tpu.memory_space<hbm>>
    tpu.enqueue_indirect_dma source(%dma_start3A_26 : memref<3276800x128xf32, #tpu.memory_space<hbm>>) target(%arg9 : memref<128x128xf32, #tpu.memory_space<vmem>>) offsets(%dma_start3A_23 : memref<128xi32, #tpu.memory_space<vmem>>) semaphore(%arg11 : memref<!tpu.dma_semaphore, #tpu.memory_space<semaphore_mem>>)
    %dma_wait3A_27 = arith.constant 1 : i32
    %dma_wait3A_28 = arith.constant 0 : i32
    %dma_wait3A_29 = tpu.memref_slice %arg7[%dma_wait3A_27, %dma_wait3A_28] : memref<5x128xi32, #tpu.memory_space<vmem>> -> memref<1x128xi32, #tpu.memory_space<vmem>>
    %dma_wait3A_30 = tpu.memref_squeeze %dma_wait3A_29 : memref<1x128xi32, #tpu.memory_space<vmem>> -> memref<128xi32, #tpu.memory_space<vmem>>
    %dma_wait3A_31 = arith.constant 0 : i32
    %dma_wait3A_32 = arith.constant 0 : i32
    %dma_wait3A_33 = tpu.memref_slice %arg2[%dma_wait3A_31, %dma_wait3A_32] : memref<3276800x128xf32, #tpu.memory_space<hbm>> -> memref<3276800x128xf32, #tpu.memory_space<hbm>>
    tpu.wait_indirect_dma semaphore(%arg11 : memref<!tpu.dma_semaphore, #tpu.memory_space<semaphore_mem>>) src(%dma_wait3A_33 : memref<3276800x128xf32, #tpu.memory_space<hbm>>) dst(%arg9 : memref<128x128xf32, #tpu.memory_space<vmem>>)
    %mul3A_34 = arith.constant 640 : i32
    %mul3A_35 = arith.muli %add3A, %mul3A_34 : i32
    %add3A_36 = arith.constant 128 : i32
    %add3A_37 = arith.addi %mul3A_35, %add3A_36 : i32
    "tpu.region"() ({
      %run_scoped3A = tpu.sem_alloc : memref<!tpu.dma_semaphore, #tpu.memory_space<semaphore_mem>>
      %dma_start3A_97 = arith.constant 0 : i32
      %dma_start3A_98 = tpu.memref_slice %arg5[%add3A_37, %dma_start3A_97] : memref<20480x128xf32, #tpu.memory_space<hbm>> -> memref<128x128xf32, #tpu.memory_space<hbm>>
      %dma_start3A_99 = arith.constant 0 : i32
      %dma_start3A_100 = tpu.memref_slice %arg5[%add3A_37, %dma_start3A_99] : memref<20480x128xf32, #tpu.memory_space<hbm>> -> memref<128x128xf32, #tpu.memory_space<hbm>>
      tpu.enqueue_dma source(%arg9 : memref<128x128xf32, #tpu.memory_space<vmem>>) target(%dma_start3A_100 : memref<128x128xf32, #tpu.memory_space<hbm>>) target_semaphore(%run_scoped3A : memref<!tpu.dma_semaphore, #tpu.memory_space<semaphore_mem>>)
      %dma_wait3A_101 = arith.constant 0 : i32
      %dma_wait3A_102 = tpu.memref_slice %arg5[%add3A_37, %dma_wait3A_101] : memref<20480x128xf32, #tpu.memory_space<hbm>> -> memref<128x128xf32, #tpu.memory_space<hbm>>
      %dma_wait3A_103 = arith.constant 0 : i32
      %dma_wait3A_104 = tpu.memref_slice %arg5[%add3A_37, %dma_wait3A_103] : memref<20480x128xf32, #tpu.memory_space<hbm>> -> memref<128x128xf32, #tpu.memory_space<hbm>>
      tpu.wait_dma2 semaphore(%run_scoped3A : memref<!tpu.dma_semaphore, #tpu.memory_space<semaphore_mem>>) src(%arg9 : memref<128x128xf32, #tpu.memory_space<vmem>>) dst(%dma_wait3A_104 : memref<128x128xf32, #tpu.memory_space<hbm>>)
      tpu.yield
    }) : () -> ()
    %dma_start3A_38 = arith.constant 2 : i32
    %dma_start3A_39 = arith.constant 0 : i32
    %dma_start3A_40 = tpu.memref_slice %arg7[%dma_start3A_38, %dma_start3A_39] : memref<5x128xi32, #tpu.memory_space<vmem>> -> memref<1x128xi32, #tpu.memory_space<vmem>>
    %dma_start3A_41 = tpu.memref_squeeze %dma_start3A_40 : memref<1x128xi32, #tpu.memory_space<vmem>> -> memref<128xi32, #tpu.memory_space<vmem>>
    %dma_start3A_42 = arith.constant 0 : i32
    %dma_start3A_43 = arith.constant 0 : i32
    %dma_start3A_44 = tpu.memref_slice %arg2[%dma_start3A_42, %dma_start3A_43] : memref<3276800x128xf32, #tpu.memory_space<hbm>> -> memref<3276800x128xf32, #tpu.memory_space<hbm>>
    tpu.enqueue_indirect_dma source(%dma_start3A_44 : memref<3276800x128xf32, #tpu.memory_space<hbm>>) target(%arg9 : memref<128x128xf32, #tpu.memory_space<vmem>>) offsets(%dma_start3A_41 : memref<128xi32, #tpu.memory_space<vmem>>) semaphore(%arg11 : memref<!tpu.dma_semaphore, #tpu.memory_space<semaphore_mem>>)
    %dma_wait3A_45 = arith.constant 2 : i32
    %dma_wait3A_46 = arith.constant 0 : i32
    %dma_wait3A_47 = tpu.memref_slice %arg7[%dma_wait3A_45, %dma_wait3A_46] : memref<5x128xi32, #tpu.memory_space<vmem>> -> memref<1x128xi32, #tpu.memory_space<vmem>>
    %dma_wait3A_48 = tpu.memref_squeeze %dma_wait3A_47 : memref<1x128xi32, #tpu.memory_space<vmem>> -> memref<128xi32, #tpu.memory_space<vmem>>
    %dma_wait3A_49 = arith.constant 0 : i32
    %dma_wait3A_50 = arith.constant 0 : i32
    %dma_wait3A_51 = tpu.memref_slice %arg2[%dma_wait3A_49, %dma_wait3A_50] : memref<3276800x128xf32, #tpu.memory_space<hbm>> -> memref<3276800x128xf32, #tpu.memory_space<hbm>>
    tpu.wait_indirect_dma semaphore(%arg11 : memref<!tpu.dma_semaphore, #tpu.memory_space<semaphore_mem>>) src(%dma_wait3A_51 : memref<3276800x128xf32, #tpu.memory_space<hbm>>) dst(%arg9 : memref<128x128xf32, #tpu.memory_space<vmem>>)
    %mul3A_52 = arith.constant 640 : i32
    %mul3A_53 = arith.muli %add3A, %mul3A_52 : i32
    %add3A_54 = arith.constant 256 : i32
    %add3A_55 = arith.addi %mul3A_53, %add3A_54 : i32
    "tpu.region"() ({
      %run_scoped3A = tpu.sem_alloc : memref<!tpu.dma_semaphore, #tpu.memory_space<semaphore_mem>>
      %dma_start3A_97 = arith.constant 0 : i32
      %dma_start3A_98 = tpu.memref_slice %arg5[%add3A_55, %dma_start3A_97] : memref<20480x128xf32, #tpu.memory_space<hbm>> -> memref<128x128xf32, #tpu.memory_space<hbm>>
      %dma_start3A_99 = arith.constant 0 : i32
      %dma_start3A_100 = tpu.memref_slice %arg5[%add3A_55, %dma_start3A_99] : memref<20480x128xf32, #tpu.memory_space<hbm>> -> memref<128x128xf32, #tpu.memory_space<hbm>>
      tpu.enqueue_dma source(%arg9 : memref<128x128xf32, #tpu.memory_space<vmem>>) target(%dma_start3A_100 : memref<128x128xf32, #tpu.memory_space<hbm>>) target_semaphore(%run_scoped3A : memref<!tpu.dma_semaphore, #tpu.memory_space<semaphore_mem>>)
      %dma_wait3A_101 = arith.constant 0 : i32
      %dma_wait3A_102 = tpu.memref_slice %arg5[%add3A_55, %dma_wait3A_101] : memref<20480x128xf32, #tpu.memory_space<hbm>> -> memref<128x128xf32, #tpu.memory_space<hbm>>
      %dma_wait3A_103 = arith.constant 0 : i32
      %dma_wait3A_104 = tpu.memref_slice %arg5[%add3A_55, %dma_wait3A_103] : memref<20480x128xf32, #tpu.memory_space<hbm>> -> memref<128x128xf32, #tpu.memory_space<hbm>>
      tpu.wait_dma2 semaphore(%run_scoped3A : memref<!tpu.dma_semaphore, #tpu.memory_space<semaphore_mem>>) src(%arg9 : memref<128x128xf32, #tpu.memory_space<vmem>>) dst(%dma_wait3A_104 : memref<128x128xf32, #tpu.memory_space<hbm>>)
      tpu.yield
    }) : () -> ()
    %dma_start3A_56 = arith.constant 3 : i32
    %dma_start3A_57 = arith.constant 0 : i32
    %dma_start3A_58 = tpu.memref_slice %arg7[%dma_start3A_56, %dma_start3A_57] : memref<5x128xi32, #tpu.memory_space<vmem>> -> memref<1x128xi32, #tpu.memory_space<vmem>>
    %dma_start3A_59 = tpu.memref_squeeze %dma_start3A_58 : memref<1x128xi32, #tpu.memory_space<vmem>> -> memref<128xi32, #tpu.memory_space<vmem>>
    %dma_start3A_60 = arith.constant 0 : i32
    %dma_start3A_61 = arith.constant 0 : i32
    %dma_start3A_62 = tpu.memref_slice %arg2[%dma_start3A_60, %dma_start3A_61] : memref<3276800x128xf32, #tpu.memory_space<hbm>> -> memref<3276800x128xf32, #tpu.memory_space<hbm>>
    tpu.enqueue_indirect_dma source(%dma_start3A_62 : memref<3276800x128xf32, #tpu.memory_space<hbm>>) target(%arg9 : memref<128x128xf32, #tpu.memory_space<vmem>>) offsets(%dma_start3A_59 : memref<128xi32, #tpu.memory_space<vmem>>) semaphore(%arg11 : memref<!tpu.dma_semaphore, #tpu.memory_space<semaphore_mem>>)
    %dma_wait3A_63 = arith.constant 3 : i32
    %dma_wait3A_64 = arith.constant 0 : i32
    %dma_wait3A_65 = tpu.memref_slice %arg7[%dma_wait3A_63, %dma_wait3A_64] : memref<5x128xi32, #tpu.memory_space<vmem>> -> memref<1x128xi32, #tpu.memory_space<vmem>>
    %dma_wait3A_66 = tpu.memref_squeeze %dma_wait3A_65 : memref<1x128xi32, #tpu.memory_space<vmem>> -> memref<128xi32, #tpu.memory_space<vmem>>
    %dma_wait3A_67 = arith.constant 0 : i32
    %dma_wait3A_68 = arith.constant 0 : i32
    %dma_wait3A_69 = tpu.memref_slice %arg2[%dma_wait3A_67, %dma_wait3A_68] : memref<3276800x128xf32, #tpu.memory_space<hbm>> -> memref<3276800x128xf32, #tpu.memory_space<hbm>>
    tpu.wait_indirect_dma semaphore(%arg11 : memref<!tpu.dma_semaphore, #tpu.memory_space<semaphore_mem>>) src(%dma_wait3A_69 : memref<3276800x128xf32, #tpu.memory_space<hbm>>) dst(%arg9 : memref<128x128xf32, #tpu.memory_space<vmem>>)
    %mul3A_70 = arith.constant 640 : i32
    %mul3A_71 = arith.muli %add3A, %mul3A_70 : i32
    %add3A_72 = arith.constant 384 : i32
    %add3A_73 = arith.addi %mul3A_71, %add3A_72 : i32
    "tpu.region"() ({
      %run_scoped3A = tpu.sem_alloc : memref<!tpu.dma_semaphore, #tpu.memory_space<semaphore_mem>>
      %dma_start3A_97 = arith.constant 0 : i32
      %dma_start3A_98 = tpu.memref_slice %arg5[%add3A_73, %dma_start3A_97] : memref<20480x128xf32, #tpu.memory_space<hbm>> -> memref<128x128xf32, #tpu.memory_space<hbm>>
      %dma_start3A_99 = arith.constant 0 : i32
      %dma_start3A_100 = tpu.memref_slice %arg5[%add3A_73, %dma_start3A_99] : memref<20480x128xf32, #tpu.memory_space<hbm>> -> memref<128x128xf32, #tpu.memory_space<hbm>>
      tpu.enqueue_dma source(%arg9 : memref<128x128xf32, #tpu.memory_space<vmem>>) target(%dma_start3A_100 : memref<128x128xf32, #tpu.memory_space<hbm>>) target_semaphore(%run_scoped3A : memref<!tpu.dma_semaphore, #tpu.memory_space<semaphore_mem>>)
      %dma_wait3A_101 = arith.constant 0 : i32
      %dma_wait3A_102 = tpu.memref_slice %arg5[%add3A_73, %dma_wait3A_101] : memref<20480x128xf32, #tpu.memory_space<hbm>> -> memref<128x128xf32, #tpu.memory_space<hbm>>
      %dma_wait3A_103 = arith.constant 0 : i32
      %dma_wait3A_104 = tpu.memref_slice %arg5[%add3A_73, %dma_wait3A_103] : memref<20480x128xf32, #tpu.memory_space<hbm>> -> memref<128x128xf32, #tpu.memory_space<hbm>>
      tpu.wait_dma2 semaphore(%run_scoped3A : memref<!tpu.dma_semaphore, #tpu.memory_space<semaphore_mem>>) src(%arg9 : memref<128x128xf32, #tpu.memory_space<vmem>>) dst(%dma_wait3A_104 : memref<128x128xf32, #tpu.memory_space<hbm>>)
      tpu.yield
    }) : () -> ()
    %dma_start3A_74 = arith.constant 4 : i32
    %dma_start3A_75 = arith.constant 0 : i32
    %dma_start3A_76 = tpu.memref_slice %arg7[%dma_start3A_74, %dma_start3A_75] : memref<5x128xi32, #tpu.memory_space<vmem>> -> memref<1x128xi32, #tpu.memory_space<vmem>>
    %dma_start3A_77 = tpu.memref_squeeze %dma_start3A_76 : memref<1x128xi32, #tpu.memory_space<vmem>> -> memref<128xi32, #tpu.memory_space<vmem>>
    %dma_start3A_78 = arith.constant 0 : i32
    %dma_start3A_79 = arith.constant 0 : i32
    %dma_start3A_80 = tpu.memref_slice %arg2[%dma_start3A_78, %dma_start3A_79] : memref<3276800x128xf32, #tpu.memory_space<hbm>> -> memref<3276800x128xf32, #tpu.memory_space<hbm>>
    tpu.enqueue_indirect_dma source(%dma_start3A_80 : memref<3276800x128xf32, #tpu.memory_space<hbm>>) target(%arg9 : memref<128x128xf32, #tpu.memory_space<vmem>>) offsets(%dma_start3A_77 : memref<128xi32, #tpu.memory_space<vmem>>) semaphore(%arg11 : memref<!tpu.dma_semaphore, #tpu.memory_space<semaphore_mem>>)
    %dma_wait3A_81 = arith.constant 4 : i32
    %dma_wait3A_82 = arith.constant 0 : i32
    %dma_wait3A_83 = tpu.memref_slice %arg7[%dma_wait3A_81, %dma_wait3A_82] : memref<5x128xi32, #tpu.memory_space<vmem>> -> memref<1x128xi32, #tpu.memory_space<vmem>>
    %dma_wait3A_84 = tpu.memref_squeeze %dma_wait3A_83 : memref<1x128xi32, #tpu.memory_space<vmem>> -> memref<128xi32, #tpu.memory_space<vmem>>
    %dma_wait3A_85 = arith.constant 0 : i32
    %dma_wait3A_86 = arith.constant 0 : i32
    %dma_wait3A_87 = tpu.memref_slice %arg2[%dma_wait3A_85, %dma_wait3A_86] : memref<3276800x128xf32, #tpu.memory_space<hbm>> -> memref<3276800x128xf32, #tpu.memory_space<hbm>>
    tpu.wait_indirect_dma semaphore(%arg11 : memref<!tpu.dma_semaphore, #tpu.memory_space<semaphore_mem>>) src(%dma_wait3A_87 : memref<3276800x128xf32, #tpu.memory_space<hbm>>) dst(%arg9 : memref<128x128xf32, #tpu.memory_space<vmem>>)
    %mul3A_88 = arith.constant 640 : i32
    %mul3A_89 = arith.muli %add3A, %mul3A_88 : i32
    %add3A_90 = arith.constant 512 : i32
    %add3A_91 = arith.addi %mul3A_89, %add3A_90 : i32
    "tpu.region"() ({
      %run_scoped3A = tpu.sem_alloc : memref<!tpu.dma_semaphore, #tpu.memory_space<semaphore_mem>>
      %dma_start3A_97 = arith.constant 0 : i32
      %dma_start3A_98 = tpu.memref_slice %arg5[%add3A_91, %dma_start3A_97] : memref<20480x128xf32, #tpu.memory_space<hbm>> -> memref<128x128xf32, #tpu.memory_space<hbm>>
      %dma_start3A_99 = arith.constant 0 : i32
      %dma_start3A_100 = tpu.memref_slice %arg5[%add3A_91, %dma_start3A_99] : memref<20480x128xf32, #tpu.memory_space<hbm>> -> memref<128x128xf32, #tpu.memory_space<hbm>>
      tpu.enqueue_dma source(%arg9 : memref<128x128xf32, #tpu.memory_space<vmem>>) target(%dma_start3A_100 : memref<128x128xf32, #tpu.memory_space<hbm>>) target_semaphore(%run_scoped3A : memref<!tpu.dma_semaphore, #tpu.memory_space<semaphore_mem>>)
      %dma_wait3A_101 = arith.constant 0 : i32
      %dma_wait3A_102 = tpu.memref_slice %arg5[%add3A_91, %dma_wait3A_101] : memref<20480x128xf32, #tpu.memory_space<hbm>> -> memref<128x128xf32, #tpu.memory_space<hbm>>
      %dma_wait3A_103 = arith.constant 0 : i32
      %dma_wait3A_104 = tpu.memref_slice %arg5[%add3A_91, %dma_wait3A_103] : memref<20480x128xf32, #tpu.memory_space<hbm>> -> memref<128x128xf32, #tpu.memory_space<hbm>>
      tpu.wait_dma2 semaphore(%run_scoped3A : memref<!tpu.dma_semaphore, #tpu.memory_space<semaphore_mem>>) src(%arg9 : memref<128x128xf32, #tpu.memory_space<vmem>>) dst(%dma_wait3A_104 : memref<128x128xf32, #tpu.memory_space<hbm>>)
      tpu.yield
    }) : () -> ()
    %dma_wait3A_92 = arith.constant 0 : i32
    %dma_wait3A_93 = arith.constant 0 : i32
    %dma_wait3A_94 = tpu.memref_slice %arg2[%dma_wait3A_92, %dma_wait3A_93] : memref<3276800x128xf32, #tpu.memory_space<hbm>> -> memref<3276800x128xf32, #tpu.memory_space<hbm>>
    tpu.wait_indirect_dma semaphore(%arg12 : memref<!tpu.dma_semaphore, #tpu.memory_space<semaphore_mem>>) src(%dma_wait3A_94 : memref<3276800x128xf32, #tpu.memory_space<hbm>>) dst(%arg10 : memref<128x128xf32, #tpu.memory_space<vmem>>)
    %mul3A_95 = arith.constant 128 : i32
    %mul3A_96 = arith.muli %add3A, %mul3A_95 : i32
    "tpu.region"() ({
      %run_scoped3A = tpu.sem_alloc : memref<!tpu.dma_semaphore, #tpu.memory_space<semaphore_mem>>
      %dma_start3A_97 = arith.constant 0 : i32
      %dma_start3A_98 = tpu.memref_slice %arg6[%mul3A_96, %dma_start3A_97] : memref<4096x128xf32, #tpu.memory_space<hbm>> -> memref<128x128xf32, #tpu.memory_space<hbm>>
      %dma_start3A_99 = arith.constant 0 : i32
      %dma_start3A_100 = tpu.memref_slice %arg6[%mul3A_96, %dma_start3A_99] : memref<4096x128xf32, #tpu.memory_space<hbm>> -> memref<128x128xf32, #tpu.memory_space<hbm>>
      tpu.enqueue_dma source(%arg10 : memref<128x128xf32, #tpu.memory_space<vmem>>) target(%dma_start3A_100 : memref<128x128xf32, #tpu.memory_space<hbm>>) target_semaphore(%run_scoped3A : memref<!tpu.dma_semaphore, #tpu.memory_space<semaphore_mem>>)
      %dma_wait3A_101 = arith.constant 0 : i32
      %dma_wait3A_102 = tpu.memref_slice %arg6[%mul3A_96, %dma_wait3A_101] : memref<4096x128xf32, #tpu.memory_space<hbm>> -> memref<128x128xf32, #tpu.memory_space<hbm>>
      %dma_wait3A_103 = arith.constant 0 : i32
      %dma_wait3A_104 = tpu.memref_slice %arg6[%mul3A_96, %dma_wait3A_103] : memref<4096x128xf32, #tpu.memory_space<hbm>> -> memref<128x128xf32, #tpu.memory_space<hbm>>
      tpu.wait_dma2 semaphore(%run_scoped3A : memref<!tpu.dma_semaphore, #tpu.memory_space<semaphore_mem>>) src(%arg10 : memref<128x128xf32, #tpu.memory_space<vmem>>) dst(%dma_wait3A_104 : memref<128x128xf32, #tpu.memory_space<hbm>>)
      tpu.yield
    }) : () -> ()
    return
  }
}

module attributes {stable_mosaic.version = 14 : i64} {
  func.func @body(%arg0: i32, %arg1: i32, %arg2: memref<5120x256xf32, #tpu.memory_space<vmem>>, %arg3: memref<40x256xf32, #tpu.memory_space<vmem>>, %arg4: memref<256x40x128xf32, #tpu.memory_space<vmem>>) attributes {dimension_semantics = [#tpu.dimension_semantics<arbitrary>, #tpu.dimension_semantics<arbitrary>], iteration_bounds = array<i64: 16, 20>, scalar_prefetch = 0 : i64, scratch_operands = 0 : i64, tpu.core_type = #tpu.core_type<tc>, window_params = [{transform_indices = @transform_0, window_bounds = array<i64: 5120, 256>}, {transform_indices = @transform_1, window_bounds = array<i64: 40, 256>}, {transform_indices = @transform_2, window_bounds = array<i64: 256, 40, 128>}]} {
    %get3A = arith.constant 0 : index
    %get3A_0 = arith.constant 0 : index
    %get3A_1 = vector.load %arg2[%get3A, %get3A_0] : memref<5120x256xf32, #tpu.memory_space<vmem>>, vector<5120x256xf32>
    %iota3A = tpu.iota {dimensions = array<i32: 0>} : vector<5120x256xi32>
    %mul3A = arith.constant 5120 : i32
    %mul3A_2 = arith.muli %arg1, %mul3A : i32
    %add3A = vector.broadcast %mul3A_2 : i32 to vector<5120x256xi32>
    %add3A_3 = arith.addi %iota3A, %add3A : vector<5120x256xi32>
    %lt3A = arith.constant 100000 : i32
    %lt3A_4 = vector.broadcast %lt3A : i32 to vector<5120x256xi32>
    %lt3A_5 = arith.cmpi slt, %add3A_3, %lt3A_4 : vector<5120x256xi32>
    %jit3A = arith.constant 0xFF800000 : f32
    %broadcast_in_dim3A = vector.broadcast %jit3A : f32 to vector<5120x256xf32>
    %select_n3A = arith.select %lt3A_5, %get3A_1, %broadcast_in_dim3A : vector<5120x256xi1>, vector<5120x256xf32>
    %slice3A = vector.extract_strided_slice %select_n3A {offsets = [0, 0], sizes = [128, 256], strides = [1, 1]} : vector<5120x256xf32> to vector<128x256xf32>
    %reduce_max3A = arith.constant dense<0xFF800000> : vector<256xf32>
    %reduce_max3A_6 = vector.multi_reduction <maximumf>, %slice3A, %reduce_max3A [0] : vector<128x256xf32> to vector<256xf32>
    %broadcast_in_dim3A_7 = vector.shape_cast %reduce_max3A_6 : vector<256xf32> to vector<1x256xf32>
    %slice3A_8 = vector.extract_strided_slice %select_n3A {offsets = [128, 0], sizes = [128, 256], strides = [1, 1]} : vector<5120x256xf32> to vector<128x256xf32>
    %reduce_max3A_9 = arith.constant dense<0xFF800000> : vector<256xf32>
    %reduce_max3A_10 = vector.multi_reduction <maximumf>, %slice3A_8, %reduce_max3A_9 [0] : vector<128x256xf32> to vector<256xf32>
    %broadcast_in_dim3A_11 = vector.shape_cast %reduce_max3A_10 : vector<256xf32> to vector<1x256xf32>
    %slice3A_12 = vector.extract_strided_slice %select_n3A {offsets = [256, 0], sizes = [128, 256], strides = [1, 1]} : vector<5120x256xf32> to vector<128x256xf32>
    %reduce_max3A_13 = arith.constant dense<0xFF800000> : vector<256xf32>
    %reduce_max3A_14 = vector.multi_reduction <maximumf>, %slice3A_12, %reduce_max3A_13 [0] : vector<128x256xf32> to vector<256xf32>
    %broadcast_in_dim3A_15 = vector.shape_cast %reduce_max3A_14 : vector<256xf32> to vector<1x256xf32>
    %slice3A_16 = vector.extract_strided_slice %select_n3A {offsets = [384, 0], sizes = [128, 256], strides = [1, 1]} : vector<5120x256xf32> to vector<128x256xf32>
    %reduce_max3A_17 = arith.constant dense<0xFF800000> : vector<256xf32>
    %reduce_max3A_18 = vector.multi_reduction <maximumf>, %slice3A_16, %reduce_max3A_17 [0] : vector<128x256xf32> to vector<256xf32>
    %broadcast_in_dim3A_19 = vector.shape_cast %reduce_max3A_18 : vector<256xf32> to vector<1x256xf32>
    %slice3A_20 = vector.extract_strided_slice %select_n3A {offsets = [512, 0], sizes = [128, 256], strides = [1, 1]} : vector<5120x256xf32> to vector<128x256xf32>
    %reduce_max3A_21 = arith.constant dense<0xFF800000> : vector<256xf32>
    %reduce_max3A_22 = vector.multi_reduction <maximumf>, %slice3A_20, %reduce_max3A_21 [0] : vector<128x256xf32> to vector<256xf32>
    %broadcast_in_dim3A_23 = vector.shape_cast %reduce_max3A_22 : vector<256xf32> to vector<1x256xf32>
    %slice3A_24 = vector.extract_strided_slice %select_n3A {offsets = [640, 0], sizes = [128, 256], strides = [1, 1]} : vector<5120x256xf32> to vector<128x256xf32>
    %reduce_max3A_25 = arith.constant dense<0xFF800000> : vector<256xf32>
    %reduce_max3A_26 = vector.multi_reduction <maximumf>, %slice3A_24, %reduce_max3A_25 [0] : vector<128x256xf32> to vector<256xf32>
    %broadcast_in_dim3A_27 = vector.shape_cast %reduce_max3A_26 : vector<256xf32> to vector<1x256xf32>
    %slice3A_28 = vector.extract_strided_slice %select_n3A {offsets = [768, 0], sizes = [128, 256], strides = [1, 1]} : vector<5120x256xf32> to vector<128x256xf32>
    %reduce_max3A_29 = arith.constant dense<0xFF800000> : vector<256xf32>
    %reduce_max3A_30 = vector.multi_reduction <maximumf>, %slice3A_28, %reduce_max3A_29 [0] : vector<128x256xf32> to vector<256xf32>
    %broadcast_in_dim3A_31 = vector.shape_cast %reduce_max3A_30 : vector<256xf32> to vector<1x256xf32>
    %slice3A_32 = vector.extract_strided_slice %select_n3A {offsets = [896, 0], sizes = [128, 256], strides = [1, 1]} : vector<5120x256xf32> to vector<128x256xf32>
    %reduce_max3A_33 = arith.constant dense<0xFF800000> : vector<256xf32>
    %reduce_max3A_34 = vector.multi_reduction <maximumf>, %slice3A_32, %reduce_max3A_33 [0] : vector<128x256xf32> to vector<256xf32>
    %broadcast_in_dim3A_35 = vector.shape_cast %reduce_max3A_34 : vector<256xf32> to vector<1x256xf32>
    %slice3A_36 = vector.extract_strided_slice %select_n3A {offsets = [1024, 0], sizes = [128, 256], strides = [1, 1]} : vector<5120x256xf32> to vector<128x256xf32>
    %reduce_max3A_37 = arith.constant dense<0xFF800000> : vector<256xf32>
    %reduce_max3A_38 = vector.multi_reduction <maximumf>, %slice3A_36, %reduce_max3A_37 [0] : vector<128x256xf32> to vector<256xf32>
    %broadcast_in_dim3A_39 = vector.shape_cast %reduce_max3A_38 : vector<256xf32> to vector<1x256xf32>
    %slice3A_40 = vector.extract_strided_slice %select_n3A {offsets = [1152, 0], sizes = [128, 256], strides = [1, 1]} : vector<5120x256xf32> to vector<128x256xf32>
    %reduce_max3A_41 = arith.constant dense<0xFF800000> : vector<256xf32>
    %reduce_max3A_42 = vector.multi_reduction <maximumf>, %slice3A_40, %reduce_max3A_41 [0] : vector<128x256xf32> to vector<256xf32>
    %broadcast_in_dim3A_43 = vector.shape_cast %reduce_max3A_42 : vector<256xf32> to vector<1x256xf32>
    %slice3A_44 = vector.extract_strided_slice %select_n3A {offsets = [1280, 0], sizes = [128, 256], strides = [1, 1]} : vector<5120x256xf32> to vector<128x256xf32>
    %reduce_max3A_45 = arith.constant dense<0xFF800000> : vector<256xf32>
    %reduce_max3A_46 = vector.multi_reduction <maximumf>, %slice3A_44, %reduce_max3A_45 [0] : vector<128x256xf32> to vector<256xf32>
    %broadcast_in_dim3A_47 = vector.shape_cast %reduce_max3A_46 : vector<256xf32> to vector<1x256xf32>
    %slice3A_48 = vector.extract_strided_slice %select_n3A {offsets = [1408, 0], sizes = [128, 256], strides = [1, 1]} : vector<5120x256xf32> to vector<128x256xf32>
    %reduce_max3A_49 = arith.constant dense<0xFF800000> : vector<256xf32>
    %reduce_max3A_50 = vector.multi_reduction <maximumf>, %slice3A_48, %reduce_max3A_49 [0] : vector<128x256xf32> to vector<256xf32>
    %broadcast_in_dim3A_51 = vector.shape_cast %reduce_max3A_50 : vector<256xf32> to vector<1x256xf32>
    %slice3A_52 = vector.extract_strided_slice %select_n3A {offsets = [1536, 0], sizes = [128, 256], strides = [1, 1]} : vector<5120x256xf32> to vector<128x256xf32>
    %reduce_max3A_53 = arith.constant dense<0xFF800000> : vector<256xf32>
    %reduce_max3A_54 = vector.multi_reduction <maximumf>, %slice3A_52, %reduce_max3A_53 [0] : vector<128x256xf32> to vector<256xf32>
    %broadcast_in_dim3A_55 = vector.shape_cast %reduce_max3A_54 : vector<256xf32> to vector<1x256xf32>
    %slice3A_56 = vector.extract_strided_slice %select_n3A {offsets = [1664, 0], sizes = [128, 256], strides = [1, 1]} : vector<5120x256xf32> to vector<128x256xf32>
    %reduce_max3A_57 = arith.constant dense<0xFF800000> : vector<256xf32>
    %reduce_max3A_58 = vector.multi_reduction <maximumf>, %slice3A_56, %reduce_max3A_57 [0] : vector<128x256xf32> to vector<256xf32>
    %broadcast_in_dim3A_59 = vector.shape_cast %reduce_max3A_58 : vector<256xf32> to vector<1x256xf32>
    %slice3A_60 = vector.extract_strided_slice %select_n3A {offsets = [1792, 0], sizes = [128, 256], strides = [1, 1]} : vector<5120x256xf32> to vector<128x256xf32>
    %reduce_max3A_61 = arith.constant dense<0xFF800000> : vector<256xf32>
    %reduce_max3A_62 = vector.multi_reduction <maximumf>, %slice3A_60, %reduce_max3A_61 [0] : vector<128x256xf32> to vector<256xf32>
    %broadcast_in_dim3A_63 = vector.shape_cast %reduce_max3A_62 : vector<256xf32> to vector<1x256xf32>
    %slice3A_64 = vector.extract_strided_slice %select_n3A {offsets = [1920, 0], sizes = [128, 256], strides = [1, 1]} : vector<5120x256xf32> to vector<128x256xf32>
    %reduce_max3A_65 = arith.constant dense<0xFF800000> : vector<256xf32>
    %reduce_max3A_66 = vector.multi_reduction <maximumf>, %slice3A_64, %reduce_max3A_65 [0] : vector<128x256xf32> to vector<256xf32>
    %broadcast_in_dim3A_67 = vector.shape_cast %reduce_max3A_66 : vector<256xf32> to vector<1x256xf32>
    %slice3A_68 = vector.extract_strided_slice %select_n3A {offsets = [2048, 0], sizes = [128, 256], strides = [1, 1]} : vector<5120x256xf32> to vector<128x256xf32>
    %reduce_max3A_69 = arith.constant dense<0xFF800000> : vector<256xf32>
    %reduce_max3A_70 = vector.multi_reduction <maximumf>, %slice3A_68, %reduce_max3A_69 [0] : vector<128x256xf32> to vector<256xf32>
    %broadcast_in_dim3A_71 = vector.shape_cast %reduce_max3A_70 : vector<256xf32> to vector<1x256xf32>
    %slice3A_72 = vector.extract_strided_slice %select_n3A {offsets = [2176, 0], sizes = [128, 256], strides = [1, 1]} : vector<5120x256xf32> to vector<128x256xf32>
    %reduce_max3A_73 = arith.constant dense<0xFF800000> : vector<256xf32>
    %reduce_max3A_74 = vector.multi_reduction <maximumf>, %slice3A_72, %reduce_max3A_73 [0] : vector<128x256xf32> to vector<256xf32>
    %broadcast_in_dim3A_75 = vector.shape_cast %reduce_max3A_74 : vector<256xf32> to vector<1x256xf32>
    %slice3A_76 = vector.extract_strided_slice %select_n3A {offsets = [2304, 0], sizes = [128, 256], strides = [1, 1]} : vector<5120x256xf32> to vector<128x256xf32>
    %reduce_max3A_77 = arith.constant dense<0xFF800000> : vector<256xf32>
    %reduce_max3A_78 = vector.multi_reduction <maximumf>, %slice3A_76, %reduce_max3A_77 [0] : vector<128x256xf32> to vector<256xf32>
    %broadcast_in_dim3A_79 = vector.shape_cast %reduce_max3A_78 : vector<256xf32> to vector<1x256xf32>
    %slice3A_80 = vector.extract_strided_slice %select_n3A {offsets = [2432, 0], sizes = [128, 256], strides = [1, 1]} : vector<5120x256xf32> to vector<128x256xf32>
    %reduce_max3A_81 = arith.constant dense<0xFF800000> : vector<256xf32>
    %reduce_max3A_82 = vector.multi_reduction <maximumf>, %slice3A_80, %reduce_max3A_81 [0] : vector<128x256xf32> to vector<256xf32>
    %broadcast_in_dim3A_83 = vector.shape_cast %reduce_max3A_82 : vector<256xf32> to vector<1x256xf32>
    %slice3A_84 = vector.extract_strided_slice %select_n3A {offsets = [2560, 0], sizes = [128, 256], strides = [1, 1]} : vector<5120x256xf32> to vector<128x256xf32>
    %reduce_max3A_85 = arith.constant dense<0xFF800000> : vector<256xf32>
    %reduce_max3A_86 = vector.multi_reduction <maximumf>, %slice3A_84, %reduce_max3A_85 [0] : vector<128x256xf32> to vector<256xf32>
    %broadcast_in_dim3A_87 = vector.shape_cast %reduce_max3A_86 : vector<256xf32> to vector<1x256xf32>
    %slice3A_88 = vector.extract_strided_slice %select_n3A {offsets = [2688, 0], sizes = [128, 256], strides = [1, 1]} : vector<5120x256xf32> to vector<128x256xf32>
    %reduce_max3A_89 = arith.constant dense<0xFF800000> : vector<256xf32>
    %reduce_max3A_90 = vector.multi_reduction <maximumf>, %slice3A_88, %reduce_max3A_89 [0] : vector<128x256xf32> to vector<256xf32>
    %broadcast_in_dim3A_91 = vector.shape_cast %reduce_max3A_90 : vector<256xf32> to vector<1x256xf32>
    %slice3A_92 = vector.extract_strided_slice %select_n3A {offsets = [2816, 0], sizes = [128, 256], strides = [1, 1]} : vector<5120x256xf32> to vector<128x256xf32>
    %reduce_max3A_93 = arith.constant dense<0xFF800000> : vector<256xf32>
    %reduce_max3A_94 = vector.multi_reduction <maximumf>, %slice3A_92, %reduce_max3A_93 [0] : vector<128x256xf32> to vector<256xf32>
    %broadcast_in_dim3A_95 = vector.shape_cast %reduce_max3A_94 : vector<256xf32> to vector<1x256xf32>
    %slice3A_96 = vector.extract_strided_slice %select_n3A {offsets = [2944, 0], sizes = [128, 256], strides = [1, 1]} : vector<5120x256xf32> to vector<128x256xf32>
    %reduce_max3A_97 = arith.constant dense<0xFF800000> : vector<256xf32>
    %reduce_max3A_98 = vector.multi_reduction <maximumf>, %slice3A_96, %reduce_max3A_97 [0] : vector<128x256xf32> to vector<256xf32>
    %broadcast_in_dim3A_99 = vector.shape_cast %reduce_max3A_98 : vector<256xf32> to vector<1x256xf32>
    %slice3A_100 = vector.extract_strided_slice %select_n3A {offsets = [3072, 0], sizes = [128, 256], strides = [1, 1]} : vector<5120x256xf32> to vector<128x256xf32>
    %reduce_max3A_101 = arith.constant dense<0xFF800000> : vector<256xf32>
    %reduce_max3A_102 = vector.multi_reduction <maximumf>, %slice3A_100, %reduce_max3A_101 [0] : vector<128x256xf32> to vector<256xf32>
    %broadcast_in_dim3A_103 = vector.shape_cast %reduce_max3A_102 : vector<256xf32> to vector<1x256xf32>
    %slice3A_104 = vector.extract_strided_slice %select_n3A {offsets = [3200, 0], sizes = [128, 256], strides = [1, 1]} : vector<5120x256xf32> to vector<128x256xf32>
    %reduce_max3A_105 = arith.constant dense<0xFF800000> : vector<256xf32>
    %reduce_max3A_106 = vector.multi_reduction <maximumf>, %slice3A_104, %reduce_max3A_105 [0] : vector<128x256xf32> to vector<256xf32>
    %broadcast_in_dim3A_107 = vector.shape_cast %reduce_max3A_106 : vector<256xf32> to vector<1x256xf32>
    %slice3A_108 = vector.extract_strided_slice %select_n3A {offsets = [3328, 0], sizes = [128, 256], strides = [1, 1]} : vector<5120x256xf32> to vector<128x256xf32>
    %reduce_max3A_109 = arith.constant dense<0xFF800000> : vector<256xf32>
    %reduce_max3A_110 = vector.multi_reduction <maximumf>, %slice3A_108, %reduce_max3A_109 [0] : vector<128x256xf32> to vector<256xf32>
    %broadcast_in_dim3A_111 = vector.shape_cast %reduce_max3A_110 : vector<256xf32> to vector<1x256xf32>
    %slice3A_112 = vector.extract_strided_slice %select_n3A {offsets = [3456, 0], sizes = [128, 256], strides = [1, 1]} : vector<5120x256xf32> to vector<128x256xf32>
    %reduce_max3A_113 = arith.constant dense<0xFF800000> : vector<256xf32>
    %reduce_max3A_114 = vector.multi_reduction <maximumf>, %slice3A_112, %reduce_max3A_113 [0] : vector<128x256xf32> to vector<256xf32>
    %broadcast_in_dim3A_115 = vector.shape_cast %reduce_max3A_114 : vector<256xf32> to vector<1x256xf32>
    %slice3A_116 = vector.extract_strided_slice %select_n3A {offsets = [3584, 0], sizes = [128, 256], strides = [1, 1]} : vector<5120x256xf32> to vector<128x256xf32>
    %reduce_max3A_117 = arith.constant dense<0xFF800000> : vector<256xf32>
    %reduce_max3A_118 = vector.multi_reduction <maximumf>, %slice3A_116, %reduce_max3A_117 [0] : vector<128x256xf32> to vector<256xf32>
    %broadcast_in_dim3A_119 = vector.shape_cast %reduce_max3A_118 : vector<256xf32> to vector<1x256xf32>
    %slice3A_120 = vector.extract_strided_slice %select_n3A {offsets = [3712, 0], sizes = [128, 256], strides = [1, 1]} : vector<5120x256xf32> to vector<128x256xf32>
    %reduce_max3A_121 = arith.constant dense<0xFF800000> : vector<256xf32>
    %reduce_max3A_122 = vector.multi_reduction <maximumf>, %slice3A_120, %reduce_max3A_121 [0] : vector<128x256xf32> to vector<256xf32>
    %broadcast_in_dim3A_123 = vector.shape_cast %reduce_max3A_122 : vector<256xf32> to vector<1x256xf32>
    %slice3A_124 = vector.extract_strided_slice %select_n3A {offsets = [3840, 0], sizes = [128, 256], strides = [1, 1]} : vector<5120x256xf32> to vector<128x256xf32>
    %reduce_max3A_125 = arith.constant dense<0xFF800000> : vector<256xf32>
    %reduce_max3A_126 = vector.multi_reduction <maximumf>, %slice3A_124, %reduce_max3A_125 [0] : vector<128x256xf32> to vector<256xf32>
    %broadcast_in_dim3A_127 = vector.shape_cast %reduce_max3A_126 : vector<256xf32> to vector<1x256xf32>
    %slice3A_128 = vector.extract_strided_slice %select_n3A {offsets = [3968, 0], sizes = [128, 256], strides = [1, 1]} : vector<5120x256xf32> to vector<128x256xf32>
    %reduce_max3A_129 = arith.constant dense<0xFF800000> : vector<256xf32>
    %reduce_max3A_130 = vector.multi_reduction <maximumf>, %slice3A_128, %reduce_max3A_129 [0] : vector<128x256xf32> to vector<256xf32>
    %broadcast_in_dim3A_131 = vector.shape_cast %reduce_max3A_130 : vector<256xf32> to vector<1x256xf32>
    %slice3A_132 = vector.extract_strided_slice %select_n3A {offsets = [4096, 0], sizes = [128, 256], strides = [1, 1]} : vector<5120x256xf32> to vector<128x256xf32>
    %reduce_max3A_133 = arith.constant dense<0xFF800000> : vector<256xf32>
    %reduce_max3A_134 = vector.multi_reduction <maximumf>, %slice3A_132, %reduce_max3A_133 [0] : vector<128x256xf32> to vector<256xf32>
    %broadcast_in_dim3A_135 = vector.shape_cast %reduce_max3A_134 : vector<256xf32> to vector<1x256xf32>
    %slice3A_136 = vector.extract_strided_slice %select_n3A {offsets = [4224, 0], sizes = [128, 256], strides = [1, 1]} : vector<5120x256xf32> to vector<128x256xf32>
    %reduce_max3A_137 = arith.constant dense<0xFF800000> : vector<256xf32>
    %reduce_max3A_138 = vector.multi_reduction <maximumf>, %slice3A_136, %reduce_max3A_137 [0] : vector<128x256xf32> to vector<256xf32>
    %broadcast_in_dim3A_139 = vector.shape_cast %reduce_max3A_138 : vector<256xf32> to vector<1x256xf32>
    %slice3A_140 = vector.extract_strided_slice %select_n3A {offsets = [4352, 0], sizes = [128, 256], strides = [1, 1]} : vector<5120x256xf32> to vector<128x256xf32>
    %reduce_max3A_141 = arith.constant dense<0xFF800000> : vector<256xf32>
    %reduce_max3A_142 = vector.multi_reduction <maximumf>, %slice3A_140, %reduce_max3A_141 [0] : vector<128x256xf32> to vector<256xf32>
    %broadcast_in_dim3A_143 = vector.shape_cast %reduce_max3A_142 : vector<256xf32> to vector<1x256xf32>
    %slice3A_144 = vector.extract_strided_slice %select_n3A {offsets = [4480, 0], sizes = [128, 256], strides = [1, 1]} : vector<5120x256xf32> to vector<128x256xf32>
    %reduce_max3A_145 = arith.constant dense<0xFF800000> : vector<256xf32>
    %reduce_max3A_146 = vector.multi_reduction <maximumf>, %slice3A_144, %reduce_max3A_145 [0] : vector<128x256xf32> to vector<256xf32>
    %broadcast_in_dim3A_147 = vector.shape_cast %reduce_max3A_146 : vector<256xf32> to vector<1x256xf32>
    %slice3A_148 = vector.extract_strided_slice %select_n3A {offsets = [4608, 0], sizes = [128, 256], strides = [1, 1]} : vector<5120x256xf32> to vector<128x256xf32>
    %reduce_max3A_149 = arith.constant dense<0xFF800000> : vector<256xf32>
    %reduce_max3A_150 = vector.multi_reduction <maximumf>, %slice3A_148, %reduce_max3A_149 [0] : vector<128x256xf32> to vector<256xf32>
    %broadcast_in_dim3A_151 = vector.shape_cast %reduce_max3A_150 : vector<256xf32> to vector<1x256xf32>
    %slice3A_152 = vector.extract_strided_slice %select_n3A {offsets = [4736, 0], sizes = [128, 256], strides = [1, 1]} : vector<5120x256xf32> to vector<128x256xf32>
    %reduce_max3A_153 = arith.constant dense<0xFF800000> : vector<256xf32>
    %reduce_max3A_154 = vector.multi_reduction <maximumf>, %slice3A_152, %reduce_max3A_153 [0] : vector<128x256xf32> to vector<256xf32>
    %broadcast_in_dim3A_155 = vector.shape_cast %reduce_max3A_154 : vector<256xf32> to vector<1x256xf32>
    %slice3A_156 = vector.extract_strided_slice %select_n3A {offsets = [4864, 0], sizes = [128, 256], strides = [1, 1]} : vector<5120x256xf32> to vector<128x256xf32>
    %reduce_max3A_157 = arith.constant dense<0xFF800000> : vector<256xf32>
    %reduce_max3A_158 = vector.multi_reduction <maximumf>, %slice3A_156, %reduce_max3A_157 [0] : vector<128x256xf32> to vector<256xf32>
    %broadcast_in_dim3A_159 = vector.shape_cast %reduce_max3A_158 : vector<256xf32> to vector<1x256xf32>
    %slice3A_160 = vector.extract_strided_slice %select_n3A {offsets = [4992, 0], sizes = [128, 256], strides = [1, 1]} : vector<5120x256xf32> to vector<128x256xf32>
    %reduce_max3A_161 = arith.constant dense<0xFF800000> : vector<256xf32>
    %reduce_max3A_162 = vector.multi_reduction <maximumf>, %slice3A_160, %reduce_max3A_161 [0] : vector<128x256xf32> to vector<256xf32>
    %broadcast_in_dim3A_163 = vector.shape_cast %reduce_max3A_162 : vector<256xf32> to vector<1x256xf32>
    %concatenate3A = tpu.concatenate %broadcast_in_dim3A_7, %broadcast_in_dim3A_11, %broadcast_in_dim3A_15, %broadcast_in_dim3A_19, %broadcast_in_dim3A_23, %broadcast_in_dim3A_27, %broadcast_in_dim3A_31, %broadcast_in_dim3A_35, %broadcast_in_dim3A_39, %broadcast_in_dim3A_43, %broadcast_in_dim3A_47, %broadcast_in_dim3A_51, %broadcast_in_dim3A_55, %broadcast_in_dim3A_59, %broadcast_in_dim3A_63, %broadcast_in_dim3A_67, %broadcast_in_dim3A_71, %broadcast_in_dim3A_75, %broadcast_in_dim3A_79, %broadcast_in_dim3A_83, %broadcast_in_dim3A_87, %broadcast_in_dim3A_91, %broadcast_in_dim3A_95, %broadcast_in_dim3A_99, %broadcast_in_dim3A_103, %broadcast_in_dim3A_107, %broadcast_in_dim3A_111, %broadcast_in_dim3A_115, %broadcast_in_dim3A_119, %broadcast_in_dim3A_123, %broadcast_in_dim3A_127, %broadcast_in_dim3A_131, %broadcast_in_dim3A_135, %broadcast_in_dim3A_139, %broadcast_in_dim3A_143, %broadcast_in_dim3A_147, %broadcast_in_dim3A_151, %broadcast_in_dim3A_155, %broadcast_in_dim3A_159, %broadcast_in_dim3A_163 in 0 : vector<1x256xf32>, vector<1x256xf32>, vector<1x256xf32>, vector<1x256xf32>, vector<1x256xf32>, vector<1x256xf32>, vector<1x256xf32>, vector<1x256xf32>, vector<1x256xf32>, vector<1x256xf32>, vector<1x256xf32>, vector<1x256xf32>, vector<1x256xf32>, vector<1x256xf32>, vector<1x256xf32>, vector<1x256xf32>, vector<1x256xf32>, vector<1x256xf32>, vector<1x256xf32>, vector<1x256xf32>, vector<1x256xf32>, vector<1x256xf32>, vector<1x256xf32>, vector<1x256xf32>, vector<1x256xf32>, vector<1x256xf32>, vector<1x256xf32>, vector<1x256xf32>, vector<1x256xf32>, vector<1x256xf32>, vector<1x256xf32>, vector<1x256xf32>, vector<1x256xf32>, vector<1x256xf32>, vector<1x256xf32>, vector<1x256xf32>, vector<1x256xf32>, vector<1x256xf32>, vector<1x256xf32>, vector<1x256xf32> -> vector<40x256xf32>
    %swap3A = arith.constant 0 : index
    %swap3A_164 = arith.constant 0 : index
    %swap3A_165 = vector.load %arg3[%swap3A, %swap3A_164] : memref<40x256xf32, #tpu.memory_space<vmem>>, vector<40x256xf32>
    tpu.vector_store %arg3[%swap3A, %swap3A_164], %concatenate3A {strides = array<i32>} : memref<40x256xf32, #tpu.memory_space<vmem>>, vector<40x256xf32>,
    %reshape3A = vector.shape_cast %select_n3A : vector<5120x256xf32> to vector<40x128x256xf32>
    %transpose3A = tpu.transpose %reshape3A, [2, 0, 1] : vector<40x128x256xf32> -> vector<256x40x128xf32>
    %swap3A_166 = arith.constant 0 : index
    %swap3A_167 = arith.constant 0 : index
    %swap3A_168 = arith.constant 0 : index
    %swap3A_169 = vector.load %arg4[%swap3A_166, %swap3A_167, %swap3A_168] : memref<256x40x128xf32, #tpu.memory_space<vmem>>, vector<256x40x128xf32>
    tpu.vector_store %arg4[%swap3A_166, %swap3A_167, %swap3A_168], %transpose3A {strides = array<i32>} : memref<256x40x128xf32, #tpu.memory_space<vmem>>, vector<256x40x128xf32>,
    return
  }
  func.func @transform_0(%arg0: i32, %arg1: i32) -> (i32, i32) {
    %c0_i32 = arith.constant 0 : i32
    return %arg1, %arg0 : i32, i32
  }
  func.func @transform_1(%arg0: i32, %arg1: i32) -> (i32, i32) {
    %c0_i32 = arith.constant 0 : i32
    return %arg1, %arg0 : i32, i32
  }
  func.func @transform_2(%arg0: i32, %arg1: i32) -> (i32, i32, i32) {
    %c0_i32 = arith.constant 0 : i32
    %c0_i32_0 = arith.constant 0 : i32
    return %arg0, %arg1, %c0_i32 : i32, i32, i32
  }
}

module attributes {stable_mosaic.version = 14 : i64} {
  func.func @body(%arg0: i32, %arg1: memref<800x512xf32, #tpu.memory_space<vmem>>, %arg2: memref<1x512xi32, #tpu.memory_space<vmem>>, %arg3: memref<5x512xi32, #tpu.memory_space<vmem>>, %arg4: memref<1x512xi32, #tpu.memory_space<vmem>>, %arg5: memref<1x512xi32, #tpu.memory_space<vmem>>) attributes {dimension_semantics = [#tpu.dimension_semantics<arbitrary>], iteration_bounds = array<i64: 8>, scalar_prefetch = 0 : i64, scratch_operands = 0 : i64, tpu.core_type = #tpu.core_type<tc>, window_params = [{transform_indices = @transform_0, window_bounds = array<i64: 800, 512>}, {transform_indices = @transform_1, window_bounds = array<i64: 1, 512>}, {transform_indices = @transform_2, window_bounds = array<i64: 5, 512>}, {transform_indices = @transform_3, window_bounds = array<i64: 1, 512>}, {transform_indices = @transform_4, window_bounds = array<i64: 1, 512>}]} {
    %get3A = arith.constant 0 : index
    %get3A_0 = arith.constant 0 : index
    %get3A_1 = vector.load %arg1[%get3A, %get3A_0] : memref<800x512xf32, #tpu.memory_space<vmem>>, vector<800x512xf32>
    %iota3A = tpu.iota {dimensions = array<i32: 0>} : vector<800x512xi32>
    %reduce_max3A = arith.constant dense<0xFF800000> : vector<512xf32>
    %reduce_max3A_2 = vector.multi_reduction <maximumf>, %get3A_1, %reduce_max3A [0] : vector<800x512xf32> to vector<512xf32>
    %broadcast_in_dim3A = vector.shape_cast %reduce_max3A_2 : vector<512xf32> to vector<1x512xf32>
    %eq3A = vector.broadcast %broadcast_in_dim3A : vector<1x512xf32> to vector<800x512xf32>
    %eq3A_3 = arith.cmpf oeq, %get3A_1, %eq3A : vector<800x512xf32>
    %jit3A = arith.constant 800 : i32
    %broadcast_in_dim3A_4 = vector.broadcast %jit3A : i32 to vector<800x512xi32>
    %select_n3A = arith.select %eq3A_3, %iota3A, %broadcast_in_dim3A_4 : vector<800x512xi1>, vector<800x512xi32>
    %reduce_min3A = arith.constant dense<2147483647> : vector<512xi32>
    %reduce_min3A_5 = vector.multi_reduction <minsi>, %select_n3A, %reduce_min3A [0] : vector<800x512xi32> to vector<512xi32>
    %broadcast_in_dim3A_6 = vector.shape_cast %reduce_min3A_5 : vector<512xi32> to vector<1x512xi32>
    %eq3A_7 = vector.broadcast %broadcast_in_dim3A_6 : vector<1x512xi32> to vector<800x512xi32>
    %eq3A_8 = arith.cmpi eq, %iota3A, %eq3A_7 : vector<800x512xi32>
    %jit3A_9 = arith.constant 0xFF800000 : f32
    %broadcast_in_dim3A_10 = vector.broadcast %jit3A_9 : f32 to vector<800x512xf32>
    %select_n3A_11 = arith.select %eq3A_8, %broadcast_in_dim3A_10, %get3A_1 : vector<800x512xi1>, vector<800x512xf32>
    %reduce_max3A_12 = arith.constant dense<0xFF800000> : vector<512xf32>
    %reduce_max3A_13 = vector.multi_reduction <maximumf>, %select_n3A_11, %reduce_max3A_12 [0] : vector<800x512xf32> to vector<512xf32>
    %broadcast_in_dim3A_14 = vector.shape_cast %reduce_max3A_13 : vector<512xf32> to vector<1x512xf32>
    %eq3A_15 = vector.broadcast %broadcast_in_dim3A_14 : vector<1x512xf32> to vector<800x512xf32>
    %eq3A_16 = arith.cmpf oeq, %select_n3A_11, %eq3A_15 : vector<800x512xf32>
    %jit3A_17 = arith.constant 800 : i32
    %broadcast_in_dim3A_18 = vector.broadcast %jit3A_17 : i32 to vector<800x512xi32>
    %select_n3A_19 = arith.select %eq3A_16, %iota3A, %broadcast_in_dim3A_18 : vector<800x512xi1>, vector<800x512xi32>
    %reduce_min3A_20 = arith.constant dense<2147483647> : vector<512xi32>
    %reduce_min3A_21 = vector.multi_reduction <minsi>, %select_n3A_19, %reduce_min3A_20 [0] : vector<800x512xi32> to vector<512xi32>
    %broadcast_in_dim3A_22 = vector.shape_cast %reduce_min3A_21 : vector<512xi32> to vector<1x512xi32>
    %eq3A_23 = vector.broadcast %broadcast_in_dim3A_22 : vector<1x512xi32> to vector<800x512xi32>
    %eq3A_24 = arith.cmpi eq, %iota3A, %eq3A_23 : vector<800x512xi32>
    %jit3A_25 = arith.constant 0xFF800000 : f32
    %broadcast_in_dim3A_26 = vector.broadcast %jit3A_25 : f32 to vector<800x512xf32>
    %select_n3A_27 = arith.select %eq3A_24, %broadcast_in_dim3A_26, %select_n3A_11 : vector<800x512xi1>, vector<800x512xf32>
    %reduce_max3A_28 = arith.constant dense<0xFF800000> : vector<512xf32>
    %reduce_max3A_29 = vector.multi_reduction <maximumf>, %select_n3A_27, %reduce_max3A_28 [0] : vector<800x512xf32> to vector<512xf32>
    %broadcast_in_dim3A_30 = vector.shape_cast %reduce_max3A_29 : vector<512xf32> to vector<1x512xf32>
    %eq3A_31 = vector.broadcast %broadcast_in_dim3A_30 : vector<1x512xf32> to vector<800x512xf32>
    %eq3A_32 = arith.cmpf oeq, %select_n3A_27, %eq3A_31 : vector<800x512xf32>
    %jit3A_33 = arith.constant 800 : i32
    %broadcast_in_dim3A_34 = vector.broadcast %jit3A_33 : i32 to vector<800x512xi32>
    %select_n3A_35 = arith.select %eq3A_32, %iota3A, %broadcast_in_dim3A_34 : vector<800x512xi1>, vector<800x512xi32>
    %reduce_min3A_36 = arith.constant dense<2147483647> : vector<512xi32>
    %reduce_min3A_37 = vector.multi_reduction <minsi>, %select_n3A_35, %reduce_min3A_36 [0] : vector<800x512xi32> to vector<512xi32>
    %broadcast_in_dim3A_38 = vector.shape_cast %reduce_min3A_37 : vector<512xi32> to vector<1x512xi32>
    %eq3A_39 = vector.broadcast %broadcast_in_dim3A_38 : vector<1x512xi32> to vector<800x512xi32>
    %eq3A_40 = arith.cmpi eq, %iota3A, %eq3A_39 : vector<800x512xi32>
    %jit3A_41 = arith.constant 0xFF800000 : f32
    %broadcast_in_dim3A_42 = vector.broadcast %jit3A_41 : f32 to vector<800x512xf32>
    %select_n3A_43 = arith.select %eq3A_40, %broadcast_in_dim3A_42, %select_n3A_27 : vector<800x512xi1>, vector<800x512xf32>
    %reduce_max3A_44 = arith.constant dense<0xFF800000> : vector<512xf32>
    %reduce_max3A_45 = vector.multi_reduction <maximumf>, %select_n3A_43, %reduce_max3A_44 [0] : vector<800x512xf32> to vector<512xf32>
    %broadcast_in_dim3A_46 = vector.shape_cast %reduce_max3A_45 : vector<512xf32> to vector<1x512xf32>
    %eq3A_47 = vector.broadcast %broadcast_in_dim3A_46 : vector<1x512xf32> to vector<800x512xf32>
    %eq3A_48 = arith.cmpf oeq, %select_n3A_43, %eq3A_47 : vector<800x512xf32>
    %jit3A_49 = arith.constant 800 : i32
    %broadcast_in_dim3A_50 = vector.broadcast %jit3A_49 : i32 to vector<800x512xi32>
    %select_n3A_51 = arith.select %eq3A_48, %iota3A, %broadcast_in_dim3A_50 : vector<800x512xi1>, vector<800x512xi32>
    %reduce_min3A_52 = arith.constant dense<2147483647> : vector<512xi32>
    %reduce_min3A_53 = vector.multi_reduction <minsi>, %select_n3A_51, %reduce_min3A_52 [0] : vector<800x512xi32> to vector<512xi32>
    %broadcast_in_dim3A_54 = vector.shape_cast %reduce_min3A_53 : vector<512xi32> to vector<1x512xi32>
    %eq3A_55 = vector.broadcast %broadcast_in_dim3A_54 : vector<1x512xi32> to vector<800x512xi32>
    %eq3A_56 = arith.cmpi eq, %iota3A, %eq3A_55 : vector<800x512xi32>
    %jit3A_57 = arith.constant 0xFF800000 : f32
    %broadcast_in_dim3A_58 = vector.broadcast %jit3A_57 : f32 to vector<800x512xf32>
    %select_n3A_59 = arith.select %eq3A_56, %broadcast_in_dim3A_58, %select_n3A_43 : vector<800x512xi1>, vector<800x512xf32>
    %reduce_max3A_60 = arith.constant dense<0xFF800000> : vector<512xf32>
    %reduce_max3A_61 = vector.multi_reduction <maximumf>, %select_n3A_59, %reduce_max3A_60 [0] : vector<800x512xf32> to vector<512xf32>
    %broadcast_in_dim3A_62 = vector.shape_cast %reduce_max3A_61 : vector<512xf32> to vector<1x512xf32>
    %eq3A_63 = vector.broadcast %broadcast_in_dim3A_62 : vector<1x512xf32> to vector<800x512xf32>
    %eq3A_64 = arith.cmpf oeq, %select_n3A_59, %eq3A_63 : vector<800x512xf32>
    %jit3A_65 = arith.constant 800 : i32
    %broadcast_in_dim3A_66 = vector.broadcast %jit3A_65 : i32 to vector<800x512xi32>
    %select_n3A_67 = arith.select %eq3A_64, %iota3A, %broadcast_in_dim3A_66 : vector<800x512xi1>, vector<800x512xi32>
    %reduce_min3A_68 = arith.constant dense<2147483647> : vector<512xi32>
    %reduce_min3A_69 = vector.multi_reduction <minsi>, %select_n3A_67, %reduce_min3A_68 [0] : vector<800x512xi32> to vector<512xi32>
    %broadcast_in_dim3A_70 = vector.shape_cast %reduce_min3A_69 : vector<512xi32> to vector<1x512xi32>
    %mul3A = arith.constant 512 : i32
    %mul3A_71 = arith.muli %arg0, %mul3A : i32
    %iota3A_72 = tpu.iota {dimensions = array<i32: 1>} : vector<1x512xi32>
    %add3A = vector.broadcast %mul3A_71 : i32 to vector<1x512xi32>
    %add3A_73 = arith.addi %add3A, %iota3A_72 : vector<1x512xi32>
    %mul3A_74 = arith.constant 800 : i32
    %mul3A_75 = vector.broadcast %mul3A_74 : i32 to vector<1x512xi32>
    %mul3A_76 = arith.muli %add3A_73, %mul3A_75 : vector<1x512xi32>
    %add3A_77 = arith.addi %mul3A_76, %broadcast_in_dim3A_6 : vector<1x512xi32>
    %add3A_78 = arith.addi %mul3A_76, %broadcast_in_dim3A_22 : vector<1x512xi32>
    %add3A_79 = arith.addi %mul3A_76, %broadcast_in_dim3A_38 : vector<1x512xi32>
    %add3A_80 = arith.addi %mul3A_76, %broadcast_in_dim3A_54 : vector<1x512xi32>
    %add3A_81 = arith.addi %mul3A_76, %broadcast_in_dim3A_70 : vector<1x512xi32>
    %concatenate3A = tpu.concatenate %add3A_77, %add3A_78, %add3A_79, %add3A_80, %add3A_81 in 0 : vector<1x512xi32>, vector<1x512xi32>, vector<1x512xi32>, vector<1x512xi32>, vector<1x512xi32> -> vector<5x512xi32>
    %swap3A = arith.constant 0 : index
    %swap3A_82 = arith.constant 0 : index
    %swap3A_83 = vector.load %arg3[%swap3A, %swap3A_82] : memref<5x512xi32, #tpu.memory_space<vmem>>, vector<5x512xi32>
    tpu.vector_store %arg3[%swap3A, %swap3A_82], %concatenate3A {strides = array<i32>} : memref<5x512xi32, #tpu.memory_space<vmem>>, vector<5x512xi32>,
    %get3A_84 = arith.constant 0 : index
    %get3A_85 = arith.constant 0 : index
    %get3A_86 = vector.load %arg2[%get3A_84, %get3A_85] : memref<1x512xi32, #tpu.memory_space<vmem>>, vector<1x512xi32>
    %jit3A_87 = arith.constant 128 : i32
    %div3A = vector.broadcast %jit3A_87 : i32 to vector<1x512xi32>
    %div3A_88 = arith.divsi %get3A_86, %div3A : vector<1x512xi32>
    %sign3A = arith.constant 0 : i32
    %sign3A_89 = vector.broadcast %sign3A : i32 to vector<1x512xi32>
    %sign3A_90 = arith.cmpi sgt, %get3A_86, %sign3A_89 : vector<1x512xi32>
    %sign3A_91 = arith.extui %sign3A_90 : vector<1x512xi1> to vector<1x512xi32>
    %sign3A_92 = arith.constant 0 : i32
    %sign3A_93 = vector.broadcast %sign3A_92 : i32 to vector<1x512xi32>
    %sign3A_94 = arith.cmpi slt, %get3A_86, %sign3A_93 : vector<1x512xi32>
    %sign3A_95 = arith.extui %sign3A_94 : vector<1x512xi1> to vector<1x512xi32>
    %sign3A_96 = arith.subi %sign3A_91, %sign3A_95 : vector<1x512xi32>
    %sign3A_97 = arith.constant 0 : i32
    %sign3A_98 = arith.cmpi sgt, %jit3A_87, %sign3A_97 : i32
    %sign3A_99 = arith.extui %sign3A_98 : i1 to i32
    %sign3A_100 = arith.constant 0 : i32
    %sign3A_101 = arith.cmpi slt, %jit3A_87, %sign3A_100 : i32
    %sign3A_102 = arith.extui %sign3A_101 : i1 to i32
    %sign3A_103 = arith.subi %sign3A_99, %sign3A_102 : i32
    %ne3A = vector.broadcast %sign3A_103 : i32 to vector<1x512xi32>
    %ne3A_104 = arith.cmpi ne, %sign3A_96, %ne3A : vector<1x512xi32>
    %rem3A = vector.broadcast %jit3A_87 : i32 to vector<1x512xi32>
    %rem3A_105 = arith.remsi %get3A_86, %rem3A : vector<1x512xi32>
    %ne3A_106 = arith.constant 0 : i32
    %ne3A_107 = vector.broadcast %ne3A_106 : i32 to vector<1x512xi32>
    %ne3A_108 = arith.cmpi ne, %rem3A_105, %ne3A_107 : vector<1x512xi32>
    %and3A = arith.andi %ne3A_104, %ne3A_108 : vector<1x512xi1>
    %sub3A = arith.constant 1 : i32
    %sub3A_109 = vector.broadcast %sub3A : i32 to vector<1x512xi32>
    %sub3A_110 = arith.subi %div3A_88, %sub3A_109 : vector<1x512xi32>
    %select_n3A_111 = arith.select %and3A, %sub3A_110, %div3A_88 : vector<1x512xi1>, vector<1x512xi32>
    %add3A_112 = arith.addi %mul3A_76, %select_n3A_111 : vector<1x512xi32>
    %swap3A_113 = arith.constant 0 : index
    %swap3A_114 = arith.constant 0 : index
    %swap3A_115 = vector.load %arg4[%swap3A_113, %swap3A_114] : memref<1x512xi32, #tpu.memory_space<vmem>>, vector<1x512xi32>
    tpu.vector_store %arg4[%swap3A_113, %swap3A_114], %add3A_112 {strides = array<i32>} : memref<1x512xi32, #tpu.memory_space<vmem>>, vector<1x512xi32>,
    %jit3A_116 = arith.constant 128 : i32
    %eq3A_117 = arith.constant 0 : i32
    %eq3A_118 = arith.cmpi eq, %jit3A_116, %eq3A_117 : i32
    %jit3A_119 = arith.constant 1 : i32
    %select_n3A_120 = arith.select %eq3A_118, %jit3A_119, %jit3A_116 : i32
    %rem3A_121 = vector.broadcast %select_n3A_120 : i32 to vector<1x512xi32>
    %rem3A_122 = arith.remsi %get3A_86, %rem3A_121 : vector<1x512xi32>
    %ne3A_123 = arith.constant 0 : i32
    %ne3A_124 = vector.broadcast %ne3A_123 : i32 to vector<1x512xi32>
    %ne3A_125 = arith.cmpi ne, %rem3A_122, %ne3A_124 : vector<1x512xi32>
    %lt3A = arith.constant 0 : i32
    %lt3A_126 = vector.broadcast %lt3A : i32 to vector<1x512xi32>
    %lt3A_127 = arith.cmpi slt, %rem3A_122, %lt3A_126 : vector<1x512xi32>
    %lt3A_128 = arith.constant 0 : i32
    %lt3A_129 = arith.cmpi slt, %select_n3A_120, %lt3A_128 : i32
    %ne3A_130 = vector.broadcast %lt3A_129 : i1 to vector<1x512xi1>
    %ne3A_131 = vector.broadcast %ne3A_130 : vector<1x512xi1> to vector<1x512xi1>
    %ne3A_132 = arith.xori %lt3A_127, %ne3A_131 : vector<1x512xi1>
    %and3A_133 = arith.andi %ne3A_132, %ne3A_125 : vector<1x512xi1>
    %add3A_134 = vector.broadcast %select_n3A_120 : i32 to vector<1x512xi32>
    %add3A_135 = arith.addi %rem3A_122, %add3A_134 : vector<1x512xi32>
    %select_n3A_136 = arith.select %and3A_133, %add3A_135, %rem3A_122 : vector<1x512xi1>, vector<1x512xi32>
    %swap3A_137 = arith.constant 0 : index
    %swap3A_138 = arith.constant 0 : index
    %swap3A_139 = vector.load %arg5[%swap3A_137, %swap3A_138] : memref<1x512xi32, #tpu.memory_space<vmem>>, vector<1x512xi32>
    tpu.vector_store %arg5[%swap3A_137, %swap3A_138], %select_n3A_136 {strides = array<i32>} : memref<1x512xi32, #tpu.memory_space<vmem>>, vector<1x512xi32>,
    return
  }
  func.func @transform_0(%arg0: i32) -> (i32, i32) {
    %c0_i32 = arith.constant 0 : i32
    %c0_i32_0 = arith.constant 0 : i32
    return %c0_i32, %arg0 : i32, i32
  }
  func.func @transform_1(%arg0: i32) -> (i32, i32) {
    %c0_i32 = arith.constant 0 : i32
    %c0_i32_0 = arith.constant 0 : i32
    return %c0_i32, %arg0 : i32, i32
  }
  func.func @transform_2(%arg0: i32) -> (i32, i32) {
    %c0_i32 = arith.constant 0 : i32
    %c0_i32_0 = arith.constant 0 : i32
    return %c0_i32, %arg0 : i32, i32
  }
  func.func @transform_3(%arg0: i32) -> (i32, i32) {
    %c0_i32 = arith.constant 0 : i32
    %c0_i32_0 = arith.constant 0 : i32
    return %c0_i32, %arg0 : i32, i32
  }
  func.func @transform_4(%arg0: i32) -> (i32, i32) {
    %c0_i32 = arith.constant 0 : i32
    %c0_i32_0 = arith.constant 0 : i32
    return %c0_i32, %arg0 : i32, i32
  }
}

module attributes {stable_mosaic.version = 14 : i64} {
  func.func @body(%arg0: i32, %arg1: memref<512x640xf32, #tpu.memory_space<vmem>>, %arg2: memref<512x128xf32, #tpu.memory_space<vmem>>, %arg3: memref<512x1xi32, #tpu.memory_space<vmem>>, %arg4: memref<1x1xf32, #tpu.memory_space<smem>>) attributes {dimension_semantics = [#tpu.dimension_semantics<arbitrary>], iteration_bounds = array<i64: 8>, scalar_prefetch = 0 : i64, scratch_operands = 0 : i64, tpu.core_type = #tpu.core_type<tc>, window_params = [{transform_indices = @transform_0, window_bounds = array<i64: 512, 640>}, {transform_indices = @transform_1, window_bounds = array<i64: 512, 128>}, {transform_indices = @transform_2, window_bounds = array<i64: 512, 1>}, {transform_indices = @transform_3, window_bounds = array<i64: 1, 1>}]} {
    %get3A = arith.constant 0 : index
    %get3A_0 = arith.constant 0 : index
    %get3A_1 = vector.load %arg1[%get3A, %get3A_0] : memref<512x640xf32, #tpu.memory_space<vmem>>, vector<512x640xf32>
    %iota3A = tpu.iota {dimensions = array<i32: 1>} : vector<512x640xi32>
    %reduce_max3A = arith.constant dense<0xFF800000> : vector<512xf32>
    %reduce_max3A_2 = vector.multi_reduction <maximumf>, %get3A_1, %reduce_max3A [1] : vector<512x640xf32> to vector<512xf32>
    %broadcast_in_dim3A = vector.shape_cast %reduce_max3A_2 : vector<512xf32> to vector<512x1xf32>
    %eq3A = vector.broadcast %broadcast_in_dim3A : vector<512x1xf32> to vector<512x640xf32>
    %eq3A_3 = arith.cmpf oeq, %get3A_1, %eq3A : vector<512x640xf32>
    %jit3A = arith.constant 640 : i32
    %broadcast_in_dim3A_4 = vector.broadcast %jit3A : i32 to vector<512x640xi32>
    %select_n3A = arith.select %eq3A_3, %iota3A, %broadcast_in_dim3A_4 : vector<512x640xi1>, vector<512x640xi32>
    %reduce_min3A = arith.constant dense<2147483647> : vector<512xi32>
    %reduce_min3A_5 = vector.multi_reduction <minsi>, %select_n3A, %reduce_min3A [1] : vector<512x640xi32> to vector<512xi32>
    %broadcast_in_dim3A_6 = vector.shape_cast %reduce_min3A_5 : vector<512xi32> to vector<512x1xi32>
    %eq3A_7 = vector.broadcast %broadcast_in_dim3A_6 : vector<512x1xi32> to vector<512x640xi32>
    %eq3A_8 = arith.cmpi eq, %iota3A, %eq3A_7 : vector<512x640xi32>
    %jit3A_9 = arith.constant 0xFF800000 : f32
    %broadcast_in_dim3A_10 = vector.broadcast %jit3A_9 : f32 to vector<512x640xf32>
    %select_n3A_11 = arith.select %eq3A_8, %broadcast_in_dim3A_10, %get3A_1 : vector<512x640xi1>, vector<512x640xf32>
    %reduce_max3A_12 = arith.constant dense<0xFF800000> : vector<512xf32>
    %reduce_max3A_13 = vector.multi_reduction <maximumf>, %select_n3A_11, %reduce_max3A_12 [1] : vector<512x640xf32> to vector<512xf32>
    %broadcast_in_dim3A_14 = vector.shape_cast %reduce_max3A_13 : vector<512xf32> to vector<512x1xf32>
    %eq3A_15 = vector.broadcast %broadcast_in_dim3A_14 : vector<512x1xf32> to vector<512x640xf32>
    %eq3A_16 = arith.cmpf oeq, %select_n3A_11, %eq3A_15 : vector<512x640xf32>
    %jit3A_17 = arith.constant 640 : i32
    %broadcast_in_dim3A_18 = vector.broadcast %jit3A_17 : i32 to vector<512x640xi32>
    %select_n3A_19 = arith.select %eq3A_16, %iota3A, %broadcast_in_dim3A_18 : vector<512x640xi1>, vector<512x640xi32>
    %reduce_min3A_20 = arith.constant dense<2147483647> : vector<512xi32>
    %reduce_min3A_21 = vector.multi_reduction <minsi>, %select_n3A_19, %reduce_min3A_20 [1] : vector<512x640xi32> to vector<512xi32>
    %broadcast_in_dim3A_22 = vector.shape_cast %reduce_min3A_21 : vector<512xi32> to vector<512x1xi32>
    %eq3A_23 = vector.broadcast %broadcast_in_dim3A_22 : vector<512x1xi32> to vector<512x640xi32>
    %eq3A_24 = arith.cmpi eq, %iota3A, %eq3A_23 : vector<512x640xi32>
    %jit3A_25 = arith.constant 0xFF800000 : f32
    %broadcast_in_dim3A_26 = vector.broadcast %jit3A_25 : f32 to vector<512x640xf32>
    %select_n3A_27 = arith.select %eq3A_24, %broadcast_in_dim3A_26, %select_n3A_11 : vector<512x640xi1>, vector<512x640xf32>
    %reduce_max3A_28 = arith.constant dense<0xFF800000> : vector<512xf32>
    %reduce_max3A_29 = vector.multi_reduction <maximumf>, %select_n3A_27, %reduce_max3A_28 [1] : vector<512x640xf32> to vector<512xf32>
    %broadcast_in_dim3A_30 = vector.shape_cast %reduce_max3A_29 : vector<512xf32> to vector<512x1xf32>
    %eq3A_31 = vector.broadcast %broadcast_in_dim3A_30 : vector<512x1xf32> to vector<512x640xf32>
    %eq3A_32 = arith.cmpf oeq, %select_n3A_27, %eq3A_31 : vector<512x640xf32>
    %jit3A_33 = arith.constant 640 : i32
    %broadcast_in_dim3A_34 = vector.broadcast %jit3A_33 : i32 to vector<512x640xi32>
    %select_n3A_35 = arith.select %eq3A_32, %iota3A, %broadcast_in_dim3A_34 : vector<512x640xi1>, vector<512x640xi32>
    %reduce_min3A_36 = arith.constant dense<2147483647> : vector<512xi32>
    %reduce_min3A_37 = vector.multi_reduction <minsi>, %select_n3A_35, %reduce_min3A_36 [1] : vector<512x640xi32> to vector<512xi32>
    %broadcast_in_dim3A_38 = vector.shape_cast %reduce_min3A_37 : vector<512xi32> to vector<512x1xi32>
    %eq3A_39 = vector.broadcast %broadcast_in_dim3A_38 : vector<512x1xi32> to vector<512x640xi32>
    %eq3A_40 = arith.cmpi eq, %iota3A, %eq3A_39 : vector<512x640xi32>
    %jit3A_41 = arith.constant 0xFF800000 : f32
    %broadcast_in_dim3A_42 = vector.broadcast %jit3A_41 : f32 to vector<512x640xf32>
    %select_n3A_43 = arith.select %eq3A_40, %broadcast_in_dim3A_42, %select_n3A_27 : vector<512x640xi1>, vector<512x640xf32>
    %reduce_max3A_44 = arith.constant dense<0xFF800000> : vector<512xf32>
    %reduce_max3A_45 = vector.multi_reduction <maximumf>, %select_n3A_43, %reduce_max3A_44 [1] : vector<512x640xf32> to vector<512xf32>
    %broadcast_in_dim3A_46 = vector.shape_cast %reduce_max3A_45 : vector<512xf32> to vector<512x1xf32>
    %eq3A_47 = vector.broadcast %broadcast_in_dim3A_46 : vector<512x1xf32> to vector<512x640xf32>
    %eq3A_48 = arith.cmpf oeq, %select_n3A_43, %eq3A_47 : vector<512x640xf32>
    %jit3A_49 = arith.constant 640 : i32
    %broadcast_in_dim3A_50 = vector.broadcast %jit3A_49 : i32 to vector<512x640xi32>
    %select_n3A_51 = arith.select %eq3A_48, %iota3A, %broadcast_in_dim3A_50 : vector<512x640xi1>, vector<512x640xi32>
    %reduce_min3A_52 = arith.constant dense<2147483647> : vector<512xi32>
    %reduce_min3A_53 = vector.multi_reduction <minsi>, %select_n3A_51, %reduce_min3A_52 [1] : vector<512x640xi32> to vector<512xi32>
    %broadcast_in_dim3A_54 = vector.shape_cast %reduce_min3A_53 : vector<512xi32> to vector<512x1xi32>
    %eq3A_55 = vector.broadcast %broadcast_in_dim3A_54 : vector<512x1xi32> to vector<512x640xi32>
    %eq3A_56 = arith.cmpi eq, %iota3A, %eq3A_55 : vector<512x640xi32>
    %jit3A_57 = arith.constant 0xFF800000 : f32
    %broadcast_in_dim3A_58 = vector.broadcast %jit3A_57 : f32 to vector<512x640xf32>
    %select_n3A_59 = arith.select %eq3A_56, %broadcast_in_dim3A_58, %select_n3A_43 : vector<512x640xi1>, vector<512x640xf32>
    %reduce_max3A_60 = arith.constant dense<0xFF800000> : vector<512xf32>
    %reduce_max3A_61 = vector.multi_reduction <maximumf>, %select_n3A_59, %reduce_max3A_60 [1] : vector<512x640xf32> to vector<512xf32>
    %broadcast_in_dim3A_62 = vector.shape_cast %reduce_max3A_61 : vector<512xf32> to vector<512x1xf32>
    %sub3A = arith.subf %broadcast_in_dim3A, %broadcast_in_dim3A : vector<512x1xf32>
    %exp3A = math.exp %sub3A : vector<512x1xf32>
    %sub3A_63 = arith.subf %broadcast_in_dim3A_14, %broadcast_in_dim3A : vector<512x1xf32>
    %exp3A_64 = math.exp %sub3A_63 : vector<512x1xf32>
    %add3A = arith.addf %exp3A, %exp3A_64 : vector<512x1xf32>
    %sub3A_65 = arith.subf %broadcast_in_dim3A_30, %broadcast_in_dim3A : vector<512x1xf32>
    %exp3A_66 = math.exp %sub3A_65 : vector<512x1xf32>
    %add3A_67 = arith.addf %add3A, %exp3A_66 : vector<512x1xf32>
    %sub3A_68 = arith.subf %broadcast_in_dim3A_46, %broadcast_in_dim3A : vector<512x1xf32>
    %exp3A_69 = math.exp %sub3A_68 : vector<512x1xf32>
    %add3A_70 = arith.addf %add3A_67, %exp3A_69 : vector<512x1xf32>
    %sub3A_71 = arith.subf %broadcast_in_dim3A_62, %broadcast_in_dim3A : vector<512x1xf32>
    %exp3A_72 = math.exp %sub3A_71 : vector<512x1xf32>
    %add3A_73 = arith.addf %add3A_70, %exp3A_72 : vector<512x1xf32>
    %log3A = math.log %add3A_73 : vector<512x1xf32>
    %add3A_74 = arith.addf %broadcast_in_dim3A, %log3A : vector<512x1xf32>
    %iota3A_75 = tpu.iota {dimensions = array<i32: 1>} : vector<512x128xi32>
    %get3A_76 = arith.constant 0 : index
    %get3A_77 = arith.constant 0 : index
    %get3A_78 = vector.load %arg3[%get3A_76, %get3A_77] : memref<512x1xi32, #tpu.memory_space<vmem>>, vector<512x1xi32>
    %eq3A_79 = vector.broadcast %get3A_78 : vector<512x1xi32> to vector<512x128xi32>
    %eq3A_80 = arith.cmpi eq, %iota3A_75, %eq3A_79 : vector<512x128xi32>
    %get3A_81 = arith.constant 0 : index
    %get3A_82 = arith.constant 0 : index
    %get3A_83 = vector.load %arg2[%get3A_81, %get3A_82] : memref<512x128xf32, #tpu.memory_space<vmem>>, vector<512x128xf32>
    %jit3A_84 = arith.constant 0.000000e+00 : f32
    %broadcast_in_dim3A_85 = vector.broadcast %jit3A_84 : f32 to vector<512x128xf32>
    %select_n3A_86 = arith.select %eq3A_80, %get3A_83, %broadcast_in_dim3A_85 : vector<512x128xi1>, vector<512x128xf32>
    %reduce_sum3A = arith.constant dense<0.000000e+00> : vector<512xf32>
    %reduce_sum3A_87 = vector.multi_reduction <add>, %select_n3A_86, %reduce_sum3A [1] : vector<512x128xf32> to vector<512xf32>
    %broadcast_in_dim3A_88 = vector.shape_cast %reduce_sum3A_87 : vector<512xf32> to vector<512x1xf32>
    %sub3A_89 = arith.subf %add3A_74, %broadcast_in_dim3A_88 : vector<512x1xf32>
    %reduce_sum3A_90 = vector.shape_cast %sub3A_89 : vector<512x1xf32> to vector<1x512x1xf32>
    %reduce_sum3A_91 = arith.constant dense<0.000000e+00> : vector<1xf32>
    %reduce_sum3A_92 = vector.multi_reduction <add>, %reduce_sum3A_90, %reduce_sum3A_91 [1, 2] : vector<1x512x1xf32> to vector<1xf32>
    %reduce_sum3A_93 = vector.shape_cast %reduce_sum3A_92 : vector<1xf32> to vector<1x1x1xf32>
    %reduce_sum3A_94 = vector.extract %reduce_sum3A_93[0, 0, 0] : f32 from vector<1x1x1xf32>
    %mul3A = arith.constant 2.44140625E-4 : f32
    %mul3A_95 = arith.mulf %reduce_sum3A_94, %mul3A : f32
    %eq3A_96 = arith.constant 0 : i32
    %eq3A_97 = arith.cmpi eq, %arg0, %eq3A_96 : i32
    %convert_element_type3A = arith.extui %eq3A_97 : i1 to i32
    %cond3A = arith.constant 0 : i32
    %cond3A_98 = arith.cmpi ne, %convert_element_type3A, %cond3A : i32
    scf.if %cond3A_98 {
      %swap3A_105 = arith.constant 0.000000e+00 : f32
      %swap3A_106 = arith.constant 0 : index
      %swap3A_107 = arith.constant 0 : index
      %swap3A_108 = memref.load %arg4[%swap3A_106, %swap3A_107] : memref<1x1xf32, #tpu.memory_space<smem>>
      memref.store %swap3A_105, %arg4[%swap3A_106, %swap3A_107] : memref<1x1xf32, #tpu.memory_space<smem>>
    } else {
    }
    %get3A_99 = arith.constant 0 : index
    %get3A_100 = arith.constant 0 : index
    %get3A_101 = memref.load %arg4[%get3A_99, %get3A_100] : memref<1x1xf32, #tpu.memory_space<smem>>
    %add3A_102 = arith.addf %get3A_101, %mul3A_95 : f32
    %swap3A = arith.constant 0 : index
    %swap3A_103 = arith.constant 0 : index
    %swap3A_104 = memref.load %arg4[%swap3A, %swap3A_103] : memref<1x1xf32, #tpu.memory_space<smem>>
    memref.store %add3A_102, %arg4[%swap3A, %swap3A_103] : memref<1x1xf32, #tpu.memory_space<smem>>
    return
  }
  func.func @transform_0(%arg0: i32) -> (i32, i32) {
    %c0_i32 = arith.constant 0 : i32
    %c0_i32_0 = arith.constant 0 : i32
    return %arg0, %c0_i32 : i32, i32
  }
  func.func @transform_1(%arg0: i32) -> (i32, i32) {
    %c0_i32 = arith.constant 0 : i32
    %c0_i32_0 = arith.constant 0 : i32
    return %arg0, %c0_i32 : i32, i32
  }
  func.func @transform_2(%arg0: i32) -> (i32, i32) {
    %c0_i32 = arith.constant 0 : i32
    %c0_i32_0 = arith.constant 0 : i32
    return %arg0, %c0_i32 : i32, i32
  }
  func.func @transform_3(%arg0: i32) -> (i32, i32) {
    %c0_i32 = arith.constant 0 : i32
    %c0_i32_0 = arith.constant 0 : i32
    %c0_i32_1 = arith.constant 0 : i32
    return %c0_i32, %c0_i32_0 : i32, i32
  }
}

</mosaic_0001>

<sc_bundles>
// kernel: kernel.6.cloned.1.call-start
scs
__scs_entry_jumppad:
0x0: {  	(pc) =	sbr.rel $0x88, $3  }
0x1: {  	(tag) =	ssettag $0x0;
	lr =	simm.s32 $0x1  }
0x2: {  	[smem:$0x3F9F] =	sst lr;
	_ =	strace $0xD0000000  }
0x3: {  	_ = 	snop  }
0x4: {  	_ = 	snop  }
0x5: {  	_ = 	snop  }
0x6: {  	_ = 	snop  }
0x7: {  	_ = 	snop  }
__scs_overlays_trampoline_lowered:
0x8: {  	[smem:$0x3FAE] =	sst s0  }
0x9: {  	[smem:$0x3FAF] =	sst s1  }
0xa: {  	[smem:$0x3FB0] =	sst s2  }
0xb: {  	[smem:$0x3FB1] =	sst s3  }
0xc: {  	[smem:$0x3FB2] =	sst s4  }
0xd: {  	[smem:$0x3FB3] =	sst s5  }
0xe: {  	[smem:$0x3FB4] =	sst s6  }
0xf: {  	[smem:$0x3FB5] =	sst s7  }
0x10: {  	[smem:$0x3FB6] =	sst s8  }
0x11: {  	[smem:$0x3FB7] =	sst s9;
	s0 =	simm.s32 @!p0 $0x0  }
0x12: {  	s1 =	sld [smem:$0x3F9D];
	s0 =	simm.s32 @p0 $0x1  }
0x13: {  	[smem:$0x3FB8] =	sst s0;
	s0 =	simm.s32 @!p1 $0x0  }
0x14: {  	s2 =	sld [smem:$0x3F9C];
	s0 =	simm.s32 @p1 $0x1  }
0x15: {  	[smem:$0x3FB9] =	sst s0;
	s0 =	simm.s32 @!p2 $0x0  }
0x16: {  	s3 =	sld [smem:$0x3FDB];
	s0 =	simm.s32 @p2 $0x1  }
0x17: {  	s4 =	simm.s32 $0x1BF5;
	[smem:$0x3FBB] =	sst s0  }
0x18: {  	s0 =	sld [smem:$0x3F9E];
	_ =	swait.ge [sflag:s4], $0x0  }
0x19: {  	s7 =	sld [smem:$0x3F9F]  }
0x1a: {  	s8 =	sadd.s32 $0xFFFFE003, lr  }
0x1b: {  	s9 =	sadd.s32 $0xFFFFFEF7, lr;
	s5 =	simm.s32 $0xFFFFFFFF;
	p2 =	slt.u32 s8, $0xFFFFF086  }
0x1c: {  	p1 =	slt.u32 s9, $0xF7A;
	s5 =	simm.s32 @!p2 $0x0  }
0x1d: {  	s5 =	simm.s32 @p1 $0x1;
	p0 =	seq.s32 s7, s2  }
0x1e: {  	s7 =	smul.u32 @!p0 $0xF7A, s2;
	p2 =	seq.s32 @!p0 s5, $0x0  }
0x1f: {  	s9 =	smul.u32 $0xF7A, s1;
	s8 =	simm.s32 @!p0 $0x1BF5;
	p2 =	por !p2, p0  }
0x20: {  	[sflag:s8] =	ssyncset.s32 @!p0 $0xFFFFF086;
	s6 =	sadd.s32 @!p0 s3, s7;
	s7 =	simm.s32 @!p0 $0x108  }
0x21: {  	s3 =	sadd.s32 s3, s9;
	s6 =	sadd.s32 @!p0 $0x88, s6;
	s7 =	simm.s32 @p2 $0x1082  }
0x22: {  	[simem:s7], [sflag:s8] =	dma.local @!p0 [hbm:s6], $0xF7A  }
0x23: {  	s9 =	sor.u32 $0xD0000000, s2;
	s6 =	simm.s32 $0x108;
	_ =	swait.ge @!p0 [sflag:s8], $0x0  }
0x24: {  	s3 =	sadd.s32 $0x88, s3;
	s6 =	simm.s32 @!p1 $0x1082;
	[sflag:s4] =	ssyncset.s32 $0xFFFFF086  }
0x25: {  	[simem:s6], [sflag:s4] =	dma.local [hbm:s3], $0xF7A  }
0x26: {  	[smem:$0x3F9F] =	sst s1;
	(tag) =	ssettag s2;
	_ =	strace s9  }
0x27: {  	s1 =	sld [smem:$0x3FAF]  }
0x28: {  	s2 =	sld [smem:$0x3FB0]  }
0x29: {  	s4 =	sld [smem:$0x3FB2]  }
0x2a: {  	p0 =	seq.s32 s5, $0x0;
	s5 =	sld [smem:$0x3FB3]  }
0x2b: {  	s6 =	sld [smem:$0x3FB4]  }
0x2c: {  	s7 =	sld [smem:$0x3FB5]  }
0x2d: {  	s3 =	simm.s32 $0x108;
	s8 =	sld [smem:$0x3FB6]  }
0x2e: {  	s3 =	simm.s32 @!p0 $0x1082;
	s9 =	sld [smem:$0x3FB7]  }
0x2f: {  	lr =	sadd.s32 s0, s3;
	s0 =	sld [smem:$0x3FAE]  }
0x30: {  	s3 =	sld [smem:$0x3FB1]  }
0x31: {  	[smem:$0x3FBA] =	sst s10  }
0x32: {  	s10 =	sld [smem:$0x3FB8];
	_ =	sdelay $0x3  }
0x33: {  	p0 =	seq.s32 s10, $0x1;
	s10 =	sld [smem:$0x3FBA];
	_ =	sdelay $0x3  }
0x34: {  	[smem:$0x3FBA] =	sst s10  }
0x35: {  	s10 =	sld [smem:$0x3FB9];
	_ =	sdelay $0x3  }
0x36: {  	p1 =	seq.s32 s10, $0x1;
	s10 =	sld [smem:$0x3FBA];
	_ =	sdelay $0x3  }
0x37: {  	[smem:$0x3FBA] =	sst s10  }
0x38: {  	s10 =	sld [smem:$0x3FBB]  }
0x39: {  	_ = 	snop;
	(pc) =	sbr.ind lr, $3  }
0x3a: {  	_ = 	snop  }
0x3b: {  	_ = 	snop  }
0x3c: {  	p2 =	seq.s32 s10, $0x1;
	s10 =	sld [smem:$0x3FBA]  }
0x3d: {  	_ =	shalt  }
0x3e: {  	_ =	shalt  }
0x3f: {  	_ =	shalt  }
0x40: {  	_ =	shalt  }
0x41: {  	_ =	shalt  }
0x42: {  	_ =	shalt  }
0x43: {  	_ =	shalt  }
0x44: {  	_ =	shalt  }
0x45: {  	_ =	shalt  }
0x46: {  	_ =	shalt  }
0x47: {  	_ =	shalt  }
0x48: {  	_ =	shalt  }
0x49: {  	_ =	shalt  }
0x4a: {  	_ =	shalt  }
0x4b: {  	_ =	shalt  }
0x4c: {  	_ =	shalt  }
0x4d: {  	_ =	shalt  }
0x4e: {  	_ =	shalt  }
0x4f: {  	_ =	shalt  }
0x50: {  	_ =	shalt  }
0x51: {  	_ =	shalt  }
0x52: {  	_ =	shalt  }
0x53: {  	_ =	shalt  }
0x54: {  	_ =	shalt  }
0x55: {  	_ =	shalt  }
0x56: {  	_ =	shalt  }
0x57: {  	_ =	shalt  }
0x58: {  	_ =	shalt  }
0x59: {  	_ =	shalt  }
0x5a: {  	_ =	shalt  }
0x5b: {  	_ =	shalt  }
0x5c: {  	_ =	shalt  }
0x5d: {  	_ =	shalt  }
0x5e: {  	_ =	shalt  }
0x5f: {  	_ =	shalt  }
0x60: {  	_ =	shalt  }
0x61: {  	_ =	shalt  }
0x62: {  	_ =	shalt  }
0x63: {  	_ =	shalt  }
0x64: {  	_ =	shalt  }
0x65: {  	_ =	shalt  }
0x66: {  	_ =	shalt  }
0x67: {  	_ =	shalt  }
0x68: {  	_ =	shalt  }
0x69: {  	_ =	shalt  }
0x6a: {  	_ =	shalt  }
0x6b: {  	_ =	shalt  }
0x6c: {  	_ =	shalt  }
0x6d: {  	_ =	shalt  }
0x6e: {  	_ =	shalt  }
0x6f: {  	_ =	shalt  }
0x70: {  	_ =	shalt  }
0x71: {  	_ =	shalt  }
0x72: {  	_ =	shalt  }
0x73: {  	_ =	shalt  }
0x74: {  	_ =	shalt  }
0x75: {  	_ =	shalt  }
0x76: {  	_ =	shalt  }
0x77: {  	_ =	shalt  }
0x78: {  	_ =	shalt  }
0x79: {  	_ =	shalt  }
0x7a: {  	_ =	shalt  }
0x7b: {  	_ =	shalt  }
0x7c: {  	_ =	shalt  }
0x7d: {  	_ =	shalt  }
0x7e: {  	_ =	shalt  }
0x7f: {  	_ =	shalt  }
0x80: {  	_ =	shalt  }
0x81: {  	_ =	shalt  }
0x82: {  	_ =	shalt  }
0x83: {  	_ =	shalt  }
0x84: {  	_ =	shalt  }
0x85: {  	_ =	shalt  }
0x86: {  	_ =	shalt  }
0x87: {  	_ =	shalt  }
.Lfunc_end0:
.L_simem_size_0:
called_computation_lowered:
.L_overlay_start_0:
0x88: {  	s2 =	sld [smem:$0x3FD9]  }
0x89: {  	s3 =	sld [smem:$0x3FFE];
	_ =	sdelay $0x1  }
0x8a: {  	s1 =	srdreg.scid  }
0x8b: {  	s0 =	sand.u32 $0x1, s1  }
0x8c: {  	s16 =	sshll.u32 s0, $0xA;
	s2 =	sadd.s32 s3, s2  }
0x8d: {  	s2 =	sadd.s32 s2, s16  }
0x8e: {  	[smem:$0x3FC6] =	sst s2  }
0x8f: {  	_ = 	snop  }
0x90: {  	(tm) =	ssettm $0x1  }
0x91: {  	s17 =	sld [smem:$0x3FFB];
	_ =	sdelay $0x3  }
0x92: {  	_ =	strace s17  }
0x93: {  	s2 =	sld [smem:$0x3FFC];
	_ =	sdelay $0x3  }
0x94: {  	_ =	strace s2  }
0x95: {  	s2 =	sld [smem:$0x3FFD];
	_ =	sdelay $0x3  }
0x96: {  	_ =	strace s2  }
0x97: {  	_ =	strace $0x8FFFFFFF  }
0x98: {  	s18 =	sld [smem:$0x3FDB];
	_ =	sdelay $0x1  }
0x99: {  	s19 =	simm.s32 $_scs_section_size  }
0x9a: {  	s4 =	simm.s32 $_size__tile_overlayer_lowered;
	s5 =	simm.s32 $_tile_overlayer_lowered  }
0x9b: {  	s22 =	simm.s32 $0x1BFF;
	s21 =	sshll.u32 s5, $0x1;
	s2 =	sadd.s32 s19, s18  }
0x9c: {  	s6 =	simm.s32 $0x0;
	s20 =	sshll.u32 s4, $0x1;
	s4 =	sadd.s32 s21, s2  }
0x9d: {  	[timem:s6], [sflag:s22] =	dma.local [hbm:s4], s20  }
0x9e: {  	_ =	swait.ge [sflag:s22], s20  }
0x9f: {  	s3 =	ssub.s32 $0x0, s20;
	[sflag:s22] =	ssyncset.done $0x0  }
0xa0: {  	[sflag:s22] =	ssyncadd.s32 s3;
	_ =	sdelay $0x1  }
0xa1: {  	s23 =	simm.s32 $0x1B8B  }
0xa2: {  	_ =	swait.ge [sflag:s23], $0x1  }
0xa3: {  	[sflag:s23] =	ssyncset.done $0x0  }
0xa4: {  	s25 =	simm.s32 $0x1B8E;
	s24 =	sld [smem:$0x3FFE];
	[sflag:s23] =	ssyncadd.s32 $0xFFFFFFFF  }
0xa5: {  	s26 =	simm.s32 $execute0_lowered;
	[smem:$0x3FD2] =	sst s25  }
0xa6: {  	s4 =	sshll.u32 s26, $0x1;
	_ =	strace $0x80000046;
	[dreg:$0x1] =	wrdreg $0xFFFFFFFF  }
0xa7: {  	s28 =	simm.s32 $_size_execute0_lowered;
	s2 =	sadd.s32 s2, s4;
	[dreg:$0x0] =	wrdreg $0x0  }
0xa8: {  	s4 =	sshll.u32 s28, $0x1;
	[dreg:$0x2] =	wrdreg s2  }
0xa9: {  	[dreg:$0x3] =	wrdreg s4  }
0xaa: {  	[dreg:$0x4] =	wrdreg $0xC0  }
0xab: {  	_ =	task [dreg:s6], $0x5FFFF  }
0xac: {  	[dreg:$0x1] =	wrdreg $0xFFFFFFFF  }
0xad: {  	[dreg:$0x0] =	wrdreg $0x60  }
0xae: {  	[dreg:$0x2] =	wrdreg s24  }
0xaf: {  	[dreg:$0x3] =	wrdreg $0x9  }
0xb0: {  	_ =	task.clear_ibuf [dreg:s6], $0x4FFFF;
	_ =	strace $0x90000046  }
0xb1: {  	s29 =	simm.s32 $0x9;
	_ =	strace $0x80000048  }
0xb2: {  	_ =	swait.ge [sflag:s29], $0x1  }
0xb3: {  	[sflag:s29] =	ssyncadd.s32 $0xFFFFFFFF  }
0xb4: {  	_ =	strace $0x90000048  }
0xb5: {  	_ =	sfence  }
0xb6: {  	s30 =	sld [smem:$0x0];
	_ =	sdelay $0x2  }
0xb7: {  	s31 =	sshll.u32 s1, $0xD;
	s1 =	sshrl.u32 s1, $0x2  }
0xb8: {  	s3 =	sand.u32 $0x4000, s31;
	s1 =	sadd.s32 s1, s30  }
0xb9: {  	s0 =	sor.u32 s3, s0;
	s1 =	sshll.u32 s1, $0x11  }
0xba: {  	s0 =	sor.u32 s1, s0  }
0xbb: {  	s0 =	sadd.s32 $0x8F2B, s0  }
0xbc: {  	[sflag:s0] =	ssyncadd.remote.s32 $0x1  }
0xbd: {  	_ =	sfence.sel $0xFFFF  }
0xbe: {  	[dreg:$0x0] =	wrdreg $0xFFFFFFFF;
	(pc) =	sbr.abs _section_cstart, $3  }
0xbf: {  	[dreg:$0x1] =	wrdreg $0xFFFFFFFF  }
0xc0: {  	_ =	task.clear_ibuf [dreg:s6], $0x2FFFF;
	_ =	strace $0x9FFFFFFF  }
0xc1: {  	(tm) =	ssettm $0x7FFFFFFF  }
tec
execute0_lowered:
.L_overlay_start_1:
0x0: {  	(tag) =	ssettag $0x1  }
0x1: {  	s1 =	srdreg.scid;
	s0 =	stileid.u32  }
0x2: {  	s20 =	sand.u32 $0x1, s1;
	s30 =	sshll.u32 s0, $0x1  }
0x3: {  	s22 =	sor.u32 s20, s30  }
0x4: {  	s21 =	rddreg [dreg:$0x0];
	s3 =	smul.u32 $0x50, s22  }
0x5: {  	s2 =	simm.s32 $0x0;
	s1 =	rddreg [dreg:$0x1]  }
0x6: {  	[smem:$0x7FF] =	sst s2;
	s3 =	sadd.s32 s3, s21  }
0x7: {  	_ =	strace $0x80000047;
	s4 =	sadd.s32 $0x3201800, s3;
	s3 =	simm.s32 $0x3  }
0x8: {  	[tilespmem:s2], [sflag:$0x3] =	stream.linear.gather [hbm4b:s4+s2], $0x280, $0x38;
	[tilespmem:$0x8300] =	vst v63  }
0x9: {  	s5 =	sshll.u32 s22, $0x4;
	_ =	swait.ge [sflag:s3], $0x280  }
0xa: {  	s5 =	sadd.s32 s5, s21;
	[sflag:s3] =	ssyncset.done $0x0  }
0xb: {  	s6 =	simm.s32 $0x280;
	s5 =	sadd.s32 $0x3201400, s5;
	[sflag:s3] =	ssyncadd.s32 $0xFFFFFD80  }
0xc: {  	[tilespmem:s6], [sflag:$0x3] =	stream.linear.gather [hbm4b:s5+s2], $0x80, $0x38;
	[tilespmem:$0x8300] =	vst v63  }
0xd: {  	_ =	swait.ge [sflag:s3], $0x80  }
0xe: {  	s8 =	simm.s32 $0x80;
	[sflag:s3] =	ssyncset.done $0x0  }
0xf: {  	s9 =	simm.s32 $0x4300;
	s7 =	sadd.s32 $0x1400, s21;
	[sflag:s3] =	ssyncadd.s32 $0xFFFFFF80  }
0x10: {  	[tilespmem:s9], [sflag:$0x2] =	stream.indirect.gather [hbm4b:s7+s8], $0x80, s6, s8, $0xb8;
	[tilespmem:$0x8300] =	vst v63  }
0x11: {  	s10 =	simm.s32 $0x300;
	s11 =	simm.s32 $0x1  }
0x12: {  	[tilespmem:s10], [sflag:$0x1] =	stream.indirect.gather [hbm4b:s7+s8], $0x80, s2, s8, $0xb8;
	[tilespmem:$0x8300] =	vst v63  }
0x13: {  	s12 =	smul.u32 $0x2800, s22;
	_ =	swait.ge [sflag:s11], $0x4000  }
0x14: {  	s13 =	sadd.s32 $0x3202200, s21;
	[sflag:s11] =	ssyncset.done $0x0  }
0x15: {  	s12 =	sadd.s32 s13, s12;
	[sflag:s11] =	ssyncadd.s32 $0xFFFFC000  }
0x16: {  	[hbm4b:s12+s2] =	stream.linear.scatter [tilespmem:s10], [sflag:$0x3], $0x4000, $0x38;
	[tilespmem:$0x8300] =	vst v63  }
0x17: {  	_ =	swait.ge [sflag:s3], $0x4000  }
0x18: {  	[sflag:s3] =	ssyncset.done $0x0  }
0x19: {  	s14 =	smul.u32 $0x14000, s22;
	[sflag:s3] =	ssyncadd.s32 $0xFFFFC000  }
0x1a: {  	[tilespmem:s10], [sflag:$0x1] =	stream.indirect.gather [hbm4b:s7+s8], $0x80, s8, s8, $0xb8;
	[tilespmem:$0x8300] =	vst v63  }
0x1b: {  	s14 =	sshrl.u32 s14, $0x3;
	_ =	swait.ge [sflag:s11], $0x4000  }
0x1c: {  	s19 =	sadd.s32 s13, s14;
	[sflag:s11] =	ssyncset.done $0x0  }
0x1d: {  	s13 =	sadd.s32 $0x800, s19;
	[sflag:s11] =	ssyncadd.s32 $0xFFFFC000  }
0x1e: {  	[hbm4b:s13+s2] =	stream.linear.scatter [tilespmem:s10], [sflag:$0x3], $0x4000, $0x38;
	[tilespmem:$0x8300] =	vst v63  }
0x1f: {  	_ =	swait.ge [sflag:s3], $0x4000  }
0x20: {  	[sflag:s3] =	ssyncset.done $0x0  }
0x21: {  	s14 =	simm.s32 $0x100;
	[sflag:s3] =	ssyncadd.s32 $0xFFFFC000  }
0x22: {  	[tilespmem:s10], [sflag:$0x1] =	stream.indirect.gather [hbm4b:s7+s8], $0x80, s14, s8, $0xb8;
	[tilespmem:$0x8300] =	vst v63  }
0x23: {  	_ =	swait.ge [sflag:s11], $0x4000  }
0x24: {  	[sflag:s11] =	ssyncset.done $0x0  }
0x25: {  	s15 =	sadd.s32 $0x1000, s19;
	[sflag:s11] =	ssyncadd.s32 $0xFFFFC000  }
0x26: {  	[hbm4b:s15+s2] =	stream.linear.scatter [tilespmem:s10], [sflag:$0x3], $0x4000, $0x38;
	[tilespmem:$0x8300] =	vst v63  }
0x27: {  	_ =	swait.ge [sflag:s3], $0x4000  }
0x28: {  	[sflag:s3] =	ssyncset.done $0x0  }
0x29: {  	s16 =	simm.s32 $0x180;
	[sflag:s3] =	ssyncadd.s32 $0xFFFFC000  }
0x2a: {  	[tilespmem:s10], [sflag:$0x1] =	stream.indirect.gather [hbm4b:s7+s8], $0x80, s16, s8, $0xb8;
	[tilespmem:$0x8300] =	vst v63  }
0x2b: {  	_ =	swait.ge [sflag:s11], $0x4000  }
0x2c: {  	[sflag:s11] =	ssyncset.done $0x0  }
0x2d: {  	s17 =	sadd.s32 $0x1800, s19;
	[sflag:s11] =	ssyncadd.s32 $0xFFFFC000  }
0x2e: {  	[hbm4b:s17+s2] =	stream.linear.scatter [tilespmem:s10], [sflag:$0x3], $0x4000, $0x38;
	[tilespmem:$0x8300] =	vst v63  }
0x2f: {  	_ =	swait.ge [sflag:s3], $0x4000  }
0x30: {  	[sflag:s3] =	ssyncset.done $0x0  }
0x31: {  	s18 =	simm.s32 $0x200;
	[sflag:s3] =	ssyncadd.s32 $0xFFFFC000  }
0x32: {  	[tilespmem:s10], [sflag:$0x1] =	stream.indirect.gather [hbm4b:s7+s8], $0x80, s18, s8, $0xb8;
	[tilespmem:$0x8300] =	vst v63  }
0x33: {  	_ =	swait.ge [sflag:s11], $0x4000  }
0x34: {  	[sflag:s11] =	ssyncset.done $0x0  }
0x35: {  	s23 =	ssub.s32 $0x2, s20;
	s19 =	sadd.s32 $0x2000, s19;
	[sflag:s11] =	ssyncadd.s32 $0xFFFFC000  }
0x36: {  	[hbm4b:s19+s2] =	stream.linear.scatter [tilespmem:s10], [sflag:$0x3], $0x4000, $0x38;
	[tilespmem:$0x8300] =	vst v63  }
0x37: {  	s20 =	simm.s32 $0x2;
	s24 =	sshrl.u32 s23, $0x1;
	_ =	swait.ge [sflag:s3], $0x4000  }
0x38: {  	s22 =	sshll.u32 s22, $0xB;
	s31 =	ssub.s32 s23, s24;
	[sflag:s3] =	ssyncset.done $0x0  }
0x39: {  	s21 =	sadd.s32 s22, s21;
	s22 =	smax.u32 s31, $0x1;
	[sflag:s3] =	ssyncadd.s32 $0xFFFFC000  }
0x3a: {  	p0 =	sne.s32 s22, $0x1;
	_ =	swait.ge [sflag:s20], $0x4000  }
.Ltmp0:
0x3b: {  	[sflag:s20] =	ssyncset.done $0x0;
	(pc) =	sbr.rel @!p0 .LBB2_2-.Ltmp0, $4  }
0x3c: {  	s21 =	sadd.s32 $0x3252200, s21;
	[sflag:s20] =	ssyncadd.s32 $0xFFFFC000  }
0x3d: {  	[hbm4b:s21+s2] =	stream.linear.scatter [tilespmem:s9], [sflag:$0x3], $0x4000, $0x38;
	[tilespmem:$0x8300] =	vst v63  }
0x3e: {  	_ =	swait.ge [sflag:s3], $0x4000  }
0x3f: {  	s22 =	sadd.s32 $0xFFFFFFFF, s22;
	[sflag:s3] =	ssyncset.done $0x0  }
.LBB2_1:
0x40: {  	p0 =	sne.s32 s22, $0x1;
	s22 =	sadd.s32 $0xFFFFFFFF, s22;
	[sflag:s3] =	ssyncadd.s32 $0xFFFFC000  }
0x41: {  	[tilespmem:s2], [sflag:$0x3] =	stream.linear.gather [hbm4b:s4+s2], $0x280, $0x38;
	[tilespmem:$0x8300] =	vst v63  }
0x42: {  	_ =	swait.ge [sflag:s3], $0x280  }
0x43: {  	[sflag:s3] =	ssyncset.done $0x0  }
0x44: {  	[sflag:s3] =	ssyncadd.s32 $0xFFFFFD80  }
0x45: {  	[tilespmem:s6], [sflag:$0x3] =	stream.linear.gather [hbm4b:s5+s2], $0x80, $0x38;
	[tilespmem:$0x8300] =	vst v63  }
0x46: {  	_ =	swait.ge [sflag:s3], $0x80  }
0x47: {  	[sflag:s3] =	ssyncset.done $0x0  }
0x48: {  	[sflag:s3] =	ssyncadd.s32 $0xFFFFFF80  }
0x49: {  	[tilespmem:s9], [sflag:$0x2] =	stream.indirect.gather [hbm4b:s7+s8], $0x80, s6, s8, $0xb8;
	[tilespmem:$0x8300] =	vst v63  }
0x4a: {  	_ = 	snop  }
0x4b: {  	[tilespmem:s10], [sflag:$0x1] =	stream.indirect.gather [hbm4b:s7+s8], $0x80, s2, s8, $0xb8;
	[tilespmem:$0x8300] =	vst v63  }
0x4c: {  	_ =	swait.ge [sflag:s11], $0x4000  }
0x4d: {  	[sflag:s11] =	ssyncset.done $0x0  }
0x4e: {  	[sflag:s11] =	ssyncadd.s32 $0xFFFFC000  }
0x4f: {  	[hbm4b:s12+s2] =	stream.linear.scatter [tilespmem:s10], [sflag:$0x3], $0x4000, $0x38;
	[tilespmem:$0x8300] =	vst v63  }
0x50: {  	_ =	swait.ge [sflag:s3], $0x4000  }
0x51: {  	[sflag:s3] =	ssyncset.done $0x0  }
0x52: {  	[sflag:s3] =	ssyncadd.s32 $0xFFFFC000  }
0x53: {  	[tilespmem:s10], [sflag:$0x1] =	stream.indirect.gather [hbm4b:s7+s8], $0x80, s8, s8, $0xb8;
	[tilespmem:$0x8300] =	vst v63  }
0x54: {  	_ =	swait.ge [sflag:s11], $0x4000  }
0x55: {  	[sflag:s11] =	ssyncset.done $0x0  }
0x56: {  	[sflag:s11] =	ssyncadd.s32 $0xFFFFC000  }
0x57: {  	[hbm4b:s13+s2] =	stream.linear.scatter [tilespmem:s10], [sflag:$0x3], $0x4000, $0x38;
	[tilespmem:$0x8300] =	vst v63  }
0x58: {  	_ =	swait.ge [sflag:s3], $0x4000  }
0x59: {  	[sflag:s3] =	ssyncset.done $0x0  }
0x5a: {  	[sflag:s3] =	ssyncadd.s32 $0xFFFFC000  }
0x5b: {  	[tilespmem:s10], [sflag:$0x1] =	stream.indirect.gather [hbm4b:s7+s8], $0x80, s14, s8, $0xb8;
	[tilespmem:$0x8300] =	vst v63  }
0x5c: {  	_ =	swait.ge [sflag:s11], $0x4000  }
0x5d: {  	[sflag:s11] =	ssyncset.done $0x0  }
0x5e: {  	[sflag:s11] =	ssyncadd.s32 $0xFFFFC000  }
0x5f: {  	[hbm4b:s15+s2] =	stream.linear.scatter [tilespmem:s10], [sflag:$0x3], $0x4000, $0x38;
	[tilespmem:$0x8300] =	vst v63  }
0x60: {  	_ =	swait.ge [sflag:s3], $0x4000  }
0x61: {  	[sflag:s3] =	ssyncset.done $0x0  }
0x62: {  	[sflag:s3] =	ssyncadd.s32 $0xFFFFC000  }
0x63: {  	[tilespmem:s10], [sflag:$0x1] =	stream.indirect.gather [hbm4b:s7+s8], $0x80, s16, s8, $0xb8;
	[tilespmem:$0x8300] =	vst v63  }
0x64: {  	_ =	swait.ge [sflag:s11], $0x4000  }
0x65: {  	[sflag:s11] =	ssyncset.done $0x0  }
0x66: {  	[sflag:s11] =	ssyncadd.s32 $0xFFFFC000  }
0x67: {  	[hbm4b:s17+s2] =	stream.linear.scatter [tilespmem:s10], [sflag:$0x3], $0x4000, $0x38;
	[tilespmem:$0x8300] =	vst v63  }
0x68: {  	_ =	swait.ge [sflag:s3], $0x4000  }
0x69: {  	[sflag:s3] =	ssyncset.done $0x0  }
0x6a: {  	[sflag:s3] =	ssyncadd.s32 $0xFFFFC000  }
0x6b: {  	[tilespmem:s10], [sflag:$0x1] =	stream.indirect.gather [hbm4b:s7+s8], $0x80, s18, s8, $0xb8;
	[tilespmem:$0x8300] =	vst v63  }
0x6c: {  	_ =	swait.ge [sflag:s11], $0x4000  }
0x6d: {  	[sflag:s11] =	ssyncset.done $0x0  }
0x6e: {  	[sflag:s11] =	ssyncadd.s32 $0xFFFFC000  }
0x6f: {  	[hbm4b:s19+s2] =	stream.linear.scatter [tilespmem:s10], [sflag:$0x3], $0x4000, $0x38;
	[tilespmem:$0x8300] =	vst v63  }
0x70: {  	_ =	swait.ge [sflag:s3], $0x4000  }
0x71: {  	[sflag:s3] =	ssyncset.done $0x0  }
0x72: {  	[sflag:s3] =	ssyncadd.s32 $0xFFFFC000  }
0x73: {  	_ =	swait.ge [sflag:s20], $0x4000  }
.Ltmp1:
0x74: {  	[sflag:s20] =	ssyncset.done $0x0;
	(pc) =	sbr.rel @p0 .LBB2_1-.Ltmp1, $4  }
0x75: {  	[sflag:s20] =	ssyncadd.s32 $0xFFFFC000  }
0x76: {  	[hbm4b:s21+s2] =	stream.linear.scatter [tilespmem:s9], [sflag:$0x3], $0x4000, $0x38;
	[tilespmem:$0x8300] =	vst v63  }
0x77: {  	_ =	swait.ge [sflag:s3], $0x4000  }
0x78: {  	[sflag:s3] =	ssyncset.done $0x0  }
.LBB2_2:
0x79: {  	[sflag:s3] =	ssyncadd.s32 $0xFFFFC000  }
0x7a: {  	_ =	sfence.sel $0x180000  }
0x7b: {  	[bflag:$0x0] =	sbarrier.arrive $0xFFFF  }
0x7c: {  	p0 =	sne.s32 s0, $0x0;
	_ =	strace $0x90000047  }
0x7d: {  	s0 =	sadd.s32 @!p0 $0x100000, s1;
	[bflag:$0x2] =	sbarrier.arrive $0xFFFF  }
0x7e: {  	[sflag:s0] =	ssyncadd.tile.s32 @!p0 $0x1;
	_ =	shalt  }
.Lfunc_end2:
_tile_overlayer_lowered:
.L_overlay_start_2:
0x7f: {  	(tag) =	ssettag $0x2  }
0x80: {  	s0 =	rddreg [dreg:$0x0];
	s2 =	stileid.u32  }
0x81: {  	s1 =	rddreg [dreg:$0x1];
	p0 =	sne.s32 s2, $0x0  }
0x82: {  	s3 =	rddreg [dreg:$0x2];
	[bflag:$0x3] =	sbarrier.arrive $0xFFFF;
	s2 =	simm.s32 @!p0 $0x1C03  }
0x83: {  	[timem:s3], [sflag:s2] =	dma.local @!p0 [hbm:s0], s1  }
0x84: {  	s0 =	simm.s32 @!p0 $0x3  }
0x85: {  	_ =	swait.ge @!p0 [sflag:s0], s1  }
0x86: {  	s1 =	ssub.s32 @!p0 $0x0, s1;
	[sflag:s0] =	ssyncset.done @!p0 $0x0  }
0x87: {  	[sflag:s0] =	ssyncadd.s32 @!p0 s1  }
0x88: {  	[bflag:$0x3] =	sbarrier.arrive $0xFFFF  }
0x89: {  	_ =	shalt  }

</sc_bundles>
